<compile_context>
chip_gen: v7x
topology: tpu7x:2x2x1
jax: 0.10.2.dev20260603
libtpu: 0.0.44.dev20260713+nightly
codegen_flags: <defaults>
</compile_context>

<pallas_src>
import functools

import jax
import jax.numpy as jnp
from jax import lax
from jax.experimental import pallas as pl
from jax.experimental.pallas import tpu as pltpu
from jax.experimental.pallas import tpu_sc as plsc

N_SEGMENTS = 10000
N_ROWS = 320000
DIM = 128

NUM_CORES = 2
NUM_SUBCORES = 16
NUM_TILES = NUM_CORES * NUM_SUBCORES
ROWS_PER_TILE = N_ROWS // NUM_TILES
CHUNK = 80
NUM_CHUNKS = ROWS_PER_TILE // CHUNK
TAIL = ROWS_PER_TILE - NUM_CHUNKS * CHUNK
NBUF = 4
NFULL = (NUM_CHUNKS // NBUF) * NBUF
SEG_PER_TILE = 624
SEG_TAIL = N_SEGMENTS - NUM_SUBCORES * SEG_PER_TILE
ZROWS = 16
NZCOPY = SEG_PER_TILE // ZROWS


def _sc_partials(v, batch):
    mesh = plsc.VectorSubcoreMesh(core_axis_name="c", subcore_axis_name="s")

    @functools.partial(
        pl.kernel,
        out_type=jax.ShapeDtypeStruct((NUM_CORES * N_SEGMENTS, DIM), jnp.float32),
        mesh=mesh,
        scratch_types=[
            pltpu.VMEM((NBUF, CHUNK, DIM), jnp.float32),
            pltpu.VMEM((NBUF, CHUNK), jnp.int32),
            pltpu.VMEM((ZROWS, DIM), jnp.float32),
            pltpu.VMEM_SHARED((N_SEGMENTS, DIM), jnp.float32),
            pltpu.SemaphoreType.DMA((NBUF,)),
            pltpu.SemaphoreType.DMA((NBUF,)),
            pltpu.SemaphoreType.DMA,
        ],
    )
    def sc_kernel(v_hbm, batch_hbm, out_hbm, vbuf, idxbuf, zbuf, acc,
                  lsem, ssem, zsem):
        c = lax.axis_index("c")
        s = lax.axis_index("s")
        tile = c * NUM_SUBCORES + s
        row_base = tile * ROWS_PER_TILE

        def start_load(k, b):
            r0 = row_base + k * CHUNK
            pltpu.async_copy(
                batch_hbm.at[pl.ds(r0, CHUNK)], idxbuf.at[b], lsem.at[b])
            pltpu.async_copy(v_hbm.at[pl.ds(r0, CHUNK)], vbuf.at[b], lsem.at[b])

        def wait_load(b):
            pltpu.make_async_copy(
                batch_hbm.at[pl.ds(0, CHUNK)], idxbuf.at[b], lsem.at[b]).wait()
            pltpu.make_async_copy(
                v_hbm.at[pl.ds(0, CHUNK)], vbuf.at[b], lsem.at[b]).wait()

        def start_scatter(b):
            pltpu.sync_copy(vbuf.at[b], acc.at[idxbuf.at[b]], add=True)

        def wait_scatter(b):
            del b

        start_load(0, 0)
        start_load(1, 1)

        @pl.loop(0, ZROWS)
        def _(i):
            @pl.loop(0, DIM, step=16)
            def _(j):
                zbuf[pl.ds(i, 1), pl.ds(j, 16)] = jnp.zeros((1, 16), jnp.float32)

        for z in range(NZCOPY):
            pltpu.async_copy(
                zbuf, acc.at[pl.ds(s * SEG_PER_TILE + z * ZROWS, ZROWS)], zsem)

        @pl.when(s == NUM_SUBCORES - 1)
        def _():
            pltpu.async_copy(
                zbuf.at[pl.ds(0, SEG_TAIL)],
                acc.at[pl.ds(NUM_SUBCORES * SEG_PER_TILE, SEG_TAIL)],
                zsem,
            )

        for z in range(NZCOPY):
            pltpu.make_async_copy(
                zbuf, acc.at[pl.ds(0, ZROWS)], zsem).wait()

        @pl.when(s == NUM_SUBCORES - 1)
        def _():
            pltpu.make_async_copy(
                zbuf.at[pl.ds(0, SEG_TAIL)],
                acc.at[pl.ds(0, SEG_TAIL)],
                zsem,
            ).wait()

        plsc.subcore_barrier()

        @pl.loop(0, NFULL // NBUF)
        def _(j):
            for b in range(NBUF):
                k = j * NBUF + b

                if b >= 2:
                    wait_scatter((b + 2) % NBUF)
                else:
                    @pl.when(j > 0)
                    def _():
                        wait_scatter((b + 2) % NBUF)

                @pl.when(k + 2 < NUM_CHUNKS)
                def _():
                    start_load(k + 2, (b + 2) % NBUF)

                wait_load(b)
                start_scatter(b)

        wait_scatter((NFULL - 2) % NBUF)
        wait_scatter((NFULL - 1) % NBUF)
        wait_load((NUM_CHUNKS - 1) % NBUF)
        start_scatter((NUM_CHUNKS - 1) % NBUF)
        wait_scatter((NUM_CHUNKS - 1) % NBUF)

        plsc.subcore_barrier()

        out_base = c * N_SEGMENTS + s * SEG_PER_TILE
        pltpu.sync_copy(
            acc.at[pl.ds(s * SEG_PER_TILE, SEG_PER_TILE)],
            out_hbm.at[pl.ds(out_base, SEG_PER_TILE)],
        )

        @pl.when(s == NUM_SUBCORES - 1)
        def _():
            pltpu.sync_copy(
                acc.at[pl.ds(NUM_SUBCORES * SEG_PER_TILE, SEG_TAIL)],
                out_hbm.at[
                    pl.ds(c * N_SEGMENTS + NUM_SUBCORES * SEG_PER_TILE, SEG_TAIL)
                ],
            )

    return sc_kernel(v, batch)


def _combine(u, partials):
    blk = 1000
    nblk = N_SEGMENTS // blk

    def body(u_ref, p0_ref, p1_ref, o_ref):
        o_ref[...] = u_ref[...] + p0_ref[...] + p1_ref[...]

    return pl.pallas_call(
        body,
        grid=(nblk,),
        in_specs=[
            pl.BlockSpec((blk, DIM), lambda i: (i, 0)),
            pl.BlockSpec((blk, DIM), lambda i: (i, 0)),
            pl.BlockSpec((blk, DIM), lambda i: (i + nblk, 0)),
        ],
        out_specs=pl.BlockSpec((blk, DIM), lambda i: (i, 0)),
        out_shape=jax.ShapeDtypeStruct((N_SEGMENTS, DIM), jnp.float32),
    )(u, partials, partials)


def kernel(u, v, batch):
    batch32 = batch.astype(jnp.int32)
    partials = _sc_partials(v, batch32)
    return _combine(u, partials)

# --- scband reference (transcript-rebuilt; emitter-appended) ---
"""Pipeline reference for scband-update-u-13469017440646 (READ-ONLY COPY).

The authoritative reference and input builder live on the scoring server;
editing this copy changes nothing except your own understanding.
"""

import jax, jax.numpy as jnp
import numpy as np

N_SEG = 10000
N = 320000
D = 128

def setup_inputs(seed: int = 0) -> dict:
    key = jax.random.key(seed)
    k1, k2, k3 = jax.random.split(key, 3)
    u = jax.random.normal(k1, (N_SEG, D), dtype=jnp.float32)
    v = jax.random.normal(k2, (N, D), dtype=jnp.float32)
    batch = jnp.sort(jax.random.randint(k3, (N,), 0, N_SEG, dtype=jnp.int64))
    return {"u": u, "v": v, "batch": batch}

def reference(u, v, batch):
    # u += scatter_add(v, batch, dim=0)
    agg = jax.ops.segment_sum(v, batch, num_segments=N_SEG)
    return u + agg

if __name__ == "__main__":
    import jax
    _d = setup_inputs()
    print(jax.jit(kernel)(*tuple(_d.values())))

</pallas_src>

<mosaic_0001>
#map = affine_map<(d0, d1) -> (0, 0)>
#map1 = affine_map<(d0, d1) -> (0)>
module attributes {stable_mosaic.version = 14 : i64} {
  func.func @sc_kernel(%arg0: i32, %arg1: i32, %arg2: memref<320000x128xf32, #tpu.memory_space<hbm>>, %arg3: memref<320000xi32, #tpu.memory_space<hbm>>, %arg4: memref<20000x128xf32, #tpu.memory_space<hbm>>, %arg5: memref<4x80x128xf32, #tpu.memory_space<vmem>>, %arg6: memref<4x80xi32, #tpu.memory_space<vmem>>, %arg7: memref<16x128xf32, #tpu.memory_space<vmem>>, %arg8: memref<10000x128xf32, #tpu.memory_space<vmem_shared>>, %arg9: memref<4x!tpu.dma_semaphore, #tpu.memory_space<semaphore_mem>>, %arg10: memref<4x!tpu.dma_semaphore, #tpu.memory_space<semaphore_mem>>, %arg11: memref<!tpu.dma_semaphore, #tpu.memory_space<semaphore_mem>>) attributes {dimension_semantics = [#tpu.dimension_semantics<core_parallel>, #tpu.dimension_semantics<subcore_parallel>], iteration_bounds = array<i64: 2, 16>, scalar_prefetch = 0 : i64, scratch_operands = 7 : i64, tpu.core_type = #tpu.core_type<sc_vector_subcore>, window_params = [{transform_indices = #map}, {transform_indices = #map1}, {transform_indices = #map}]} {
    %mul3A = arith.constant 16 : i32
    %mul3A_0 = arith.muli %arg0, %mul3A : i32
    %add3A = arith.addi %mul3A_0, %arg1 : i32
    %mul3A_1 = arith.constant 10000 : i32
    %mul3A_2 = arith.muli %add3A, %mul3A_1 : i32
    %add3A_3 = arith.constant 0 : i32
    %add3A_4 = arith.addi %mul3A_2, %add3A_3 : i32
    %dma_start3A = arith.constant 0 : i32
    %dma_start3A_5 = arith.constant 0 : i32
    %dma_start3A_6 = arith.constant 0 : i32
    %dma_start3A_7 = tpu.memref_slice %arg6[%dma_start3A, %dma_start3A_6] : memref<4x80xi32, #tpu.memory_space<vmem>> -> memref<1x80xi32, #tpu.memory_space<vmem>>
    %dma_start3A_8 = tpu.memref_squeeze %dma_start3A_7 : memref<1x80xi32, #tpu.memory_space<vmem>> -> memref<80xi32, #tpu.memory_space<vmem>>
    %dma_start3A_9 = tpu.memref_slice %arg3[%add3A_4] : memref<320000xi32, #tpu.memory_space<hbm>> -> memref<80xi32, #tpu.memory_space<hbm>>
    %dma_start3A_10 = tpu.memref_slice %arg9[%dma_start3A_5] : memref<4x!tpu.dma_semaphore, #tpu.memory_space<semaphore_mem>> -> memref<1x!tpu.dma_semaphore, #tpu.memory_space<semaphore_mem>>
    %dma_start3A_11 = tpu.memref_squeeze %dma_start3A_10 : memref<1x!tpu.dma_semaphore, #tpu.memory_space<semaphore_mem>> -> memref<!tpu.dma_semaphore, #tpu.memory_space<semaphore_mem>>
    %dma_start3A_12 = arith.constant 0 : i32
    %dma_start3A_13 = tpu.memref_slice %arg6[%dma_start3A, %dma_start3A_12] : memref<4x80xi32, #tpu.memory_space<vmem>> -> memref<1x80xi32, #tpu.memory_space<vmem>>
    %dma_start3A_14 = tpu.memref_squeeze %dma_start3A_13 : memref<1x80xi32, #tpu.memory_space<vmem>> -> memref<80xi32, #tpu.memory_space<vmem>>
    %dma_start3A_15 = tpu.memref_slice %arg3[%add3A_4] : memref<320000xi32, #tpu.memory_space<hbm>> -> memref<80xi32, #tpu.memory_space<hbm>>
    tpu.enqueue_dma source(%dma_start3A_15 : memref<80xi32, #tpu.memory_space<hbm>>) target(%dma_start3A_14 : memref<80xi32, #tpu.memory_space<vmem>>) target_semaphore(%dma_start3A_11 : memref<!tpu.dma_semaphore, #tpu.memory_space<semaphore_mem>>)
    %dma_start3A_16 = arith.constant 0 : i32
    %dma_start3A_17 = arith.constant 0 : i32
    %dma_start3A_18 = arith.constant 0 : i32
    %dma_start3A_19 = arith.constant 0 : i32
    %dma_start3A_20 = tpu.memref_slice %arg5[%dma_start3A_16, %dma_start3A_18, %dma_start3A_19] : memref<4x80x128xf32, #tpu.memory_space<vmem>> -> memref<1x80x128xf32, #tpu.memory_space<vmem>>
    %dma_start3A_21 = tpu.memref_squeeze %dma_start3A_20 : memref<1x80x128xf32, #tpu.memory_space<vmem>> -> memref<80x128xf32, #tpu.memory_space<vmem>>
    %dma_start3A_22 = arith.constant 0 : i32
    %dma_start3A_23 = tpu.memref_slice %arg2[%add3A_4, %dma_start3A_22] : memref<320000x128xf32, #tpu.memory_space<hbm>> -> memref<80x128xf32, #tpu.memory_space<hbm>>
    %dma_start3A_24 = tpu.memref_slice %arg9[%dma_start3A_17] : memref<4x!tpu.dma_semaphore, #tpu.memory_space<semaphore_mem>> -> memref<1x!tpu.dma_semaphore, #tpu.memory_space<semaphore_mem>>
    %dma_start3A_25 = tpu.memref_squeeze %dma_start3A_24 : memref<1x!tpu.dma_semaphore, #tpu.memory_space<semaphore_mem>> -> memref<!tpu.dma_semaphore, #tpu.memory_space<semaphore_mem>>
    %dma_start3A_26 = arith.constant 0 : i32
    %dma_start3A_27 = arith.constant 0 : i32
    %dma_start3A_28 = tpu.memref_slice %arg5[%dma_start3A_16, %dma_start3A_26, %dma_start3A_27] : memref<4x80x128xf32, #tpu.memory_space<vmem>> -> memref<1x80x128xf32, #tpu.memory_space<vmem>>
    %dma_start3A_29 = tpu.memref_squeeze %dma_start3A_28 : memref<1x80x128xf32, #tpu.memory_space<vmem>> -> memref<80x128xf32, #tpu.memory_space<vmem>>
    %dma_start3A_30 = arith.constant 0 : i32
    %dma_start3A_31 = tpu.memref_slice %arg2[%add3A_4, %dma_start3A_30] : memref<320000x128xf32, #tpu.memory_space<hbm>> -> memref<80x128xf32, #tpu.memory_space<hbm>>
    tpu.enqueue_dma source(%dma_start3A_31 : memref<80x128xf32, #tpu.memory_space<hbm>>) target(%dma_start3A_29 : memref<80x128xf32, #tpu.memory_space<vmem>>) target_semaphore(%dma_start3A_25 : memref<!tpu.dma_semaphore, #tpu.memory_space<semaphore_mem>>)
    %add3A_32 = arith.constant 80 : i32
    %add3A_33 = arith.addi %mul3A_2, %add3A_32 : i32
    %dma_start3A_34 = arith.constant 1 : i32
    %dma_start3A_35 = arith.constant 1 : i32
    %dma_start3A_36 = arith.constant 0 : i32
    %dma_start3A_37 = tpu.memref_slice %arg6[%dma_start3A_34, %dma_start3A_36] : memref<4x80xi32, #tpu.memory_space<vmem>> -> memref<1x80xi32, #tpu.memory_space<vmem>>
    %dma_start3A_38 = tpu.memref_squeeze %dma_start3A_37 : memref<1x80xi32, #tpu.memory_space<vmem>> -> memref<80xi32, #tpu.memory_space<vmem>>
    %dma_start3A_39 = tpu.memref_slice %arg3[%add3A_33] : memref<320000xi32, #tpu.memory_space<hbm>> -> memref<80xi32, #tpu.memory_space<hbm>>
    %dma_start3A_40 = tpu.memref_slice %arg9[%dma_start3A_35] : memref<4x!tpu.dma_semaphore, #tpu.memory_space<semaphore_mem>> -> memref<1x!tpu.dma_semaphore, #tpu.memory_space<semaphore_mem>>
    %dma_start3A_41 = tpu.memref_squeeze %dma_start3A_40 : memref<1x!tpu.dma_semaphore, #tpu.memory_space<semaphore_mem>> -> memref<!tpu.dma_semaphore, #tpu.memory_space<semaphore_mem>>
    %dma_start3A_42 = arith.constant 0 : i32
    %dma_start3A_43 = tpu.memref_slice %arg6[%dma_start3A_34, %dma_start3A_42] : memref<4x80xi32, #tpu.memory_space<vmem>> -> memref<1x80xi32, #tpu.memory_space<vmem>>
    %dma_start3A_44 = tpu.memref_squeeze %dma_start3A_43 : memref<1x80xi32, #tpu.memory_space<vmem>> -> memref<80xi32, #tpu.memory_space<vmem>>
    %dma_start3A_45 = tpu.memref_slice %arg3[%add3A_33] : memref<320000xi32, #tpu.memory_space<hbm>> -> memref<80xi32, #tpu.memory_space<hbm>>
    tpu.enqueue_dma source(%dma_start3A_45 : memref<80xi32, #tpu.memory_space<hbm>>) target(%dma_start3A_44 : memref<80xi32, #tpu.memory_space<vmem>>) target_semaphore(%dma_start3A_41 : memref<!tpu.dma_semaphore, #tpu.memory_space<semaphore_mem>>)
    %dma_start3A_46 = arith.constant 1 : i32
    %dma_start3A_47 = arith.constant 1 : i32
    %dma_start3A_48 = arith.constant 0 : i32
    %dma_start3A_49 = arith.constant 0 : i32
    %dma_start3A_50 = tpu.memref_slice %arg5[%dma_start3A_46, %dma_start3A_48, %dma_start3A_49] : memref<4x80x128xf32, #tpu.memory_space<vmem>> -> memref<1x80x128xf32, #tpu.memory_space<vmem>>
    %dma_start3A_51 = tpu.memref_squeeze %dma_start3A_50 : memref<1x80x128xf32, #tpu.memory_space<vmem>> -> memref<80x128xf32, #tpu.memory_space<vmem>>
    %dma_start3A_52 = arith.constant 0 : i32
    %dma_start3A_53 = tpu.memref_slice %arg2[%add3A_33, %dma_start3A_52] : memref<320000x128xf32, #tpu.memory_space<hbm>> -> memref<80x128xf32, #tpu.memory_space<hbm>>
    %dma_start3A_54 = tpu.memref_slice %arg9[%dma_start3A_47] : memref<4x!tpu.dma_semaphore, #tpu.memory_space<semaphore_mem>> -> memref<1x!tpu.dma_semaphore, #tpu.memory_space<semaphore_mem>>
    %dma_start3A_55 = tpu.memref_squeeze %dma_start3A_54 : memref<1x!tpu.dma_semaphore, #tpu.memory_space<semaphore_mem>> -> memref<!tpu.dma_semaphore, #tpu.memory_space<semaphore_mem>>
    %dma_start3A_56 = arith.constant 0 : i32
    %dma_start3A_57 = arith.constant 0 : i32
    %dma_start3A_58 = tpu.memref_slice %arg5[%dma_start3A_46, %dma_start3A_56, %dma_start3A_57] : memref<4x80x128xf32, #tpu.memory_space<vmem>> -> memref<1x80x128xf32, #tpu.memory_space<vmem>>
    %dma_start3A_59 = tpu.memref_squeeze %dma_start3A_58 : memref<1x80x128xf32, #tpu.memory_space<vmem>> -> memref<80x128xf32, #tpu.memory_space<vmem>>
    %dma_start3A_60 = arith.constant 0 : i32
    %dma_start3A_61 = tpu.memref_slice %arg2[%add3A_33, %dma_start3A_60] : memref<320000x128xf32, #tpu.memory_space<hbm>> -> memref<80x128xf32, #tpu.memory_space<hbm>>
    tpu.enqueue_dma source(%dma_start3A_61 : memref<80x128xf32, #tpu.memory_space<hbm>>) target(%dma_start3A_59 : memref<80x128xf32, #tpu.memory_space<vmem>>) target_semaphore(%dma_start3A_55 : memref<!tpu.dma_semaphore, #tpu.memory_space<semaphore_mem>>)
    %scan3A = arith.constant 0 : i32
    %scan3A_62 = arith.constant 16 : i32
    %scan3A_63 = arith.addi %scan3A, %scan3A_62 : i32
    %scan3A_64 = arith.constant 1 : i32
    scf.for %scan3A_669 = %scan3A to %scan3A_63 step %scan3A_64  : i32 {
      %mul3A_670 = arith.constant 1 : i32
      %mul3A_671 = arith.muli %scan3A_669, %mul3A_670 : i32
      %add3A_672 = arith.constant 0 : i32
      %add3A_673 = arith.addi %add3A_672, %mul3A_671 : i32
      %scan3A_674 = arith.constant 0 : i32
      %scan3A_675 = arith.constant 8 : i32
      %scan3A_676 = arith.addi %scan3A_674, %scan3A_675 : i32
      %scan3A_677 = arith.constant 1 : i32
      scf.for %scan3A_679 = %scan3A_674 to %scan3A_676 step %scan3A_677  : i32 {
        %mul3A_680 = arith.constant 16 : i32
        %mul3A_681 = arith.muli %scan3A_679, %mul3A_680 : i32
        %add3A_682 = arith.constant 0 : i32
        %add3A_683 = arith.addi %add3A_682, %mul3A_681 : i32
        %broadcast_in_dim3A = arith.constant 0.000000e+00 : f32
        %broadcast_in_dim3A_684 = vector.broadcast %broadcast_in_dim3A : f32 to vector<1x16xf32>
        %swap3A = arith.index_cast %add3A_673 : i32 to index
        %swap3A_685 = arith.index_cast %add3A_683 : i32 to index
        %swap3A_686 = tpu.vector_load %arg7[%swap3A, %swap3A_685] {strides = array<i32>} : memref<16x128xf32, #tpu.memory_space<vmem>>, vector<1x16xf32>,
        %swap3A_687 = vector.shape_cast %swap3A_686 : vector<1x16xf32> to vector<1x16xf32>
        %swap3A_688 = vector.shape_cast %broadcast_in_dim3A_684 : vector<1x16xf32> to vector<1x16xf32>
        tpu.vector_store %arg7[%swap3A, %swap3A_685], %swap3A_688 {strides = array<i32>} : memref<16x128xf32, #tpu.memory_space<vmem>>, vector<1x16xf32>,
      }
      %scan3A_678 = arith.constant 8 : i32
    }
    %scan3A_65 = arith.constant 16 : i32
    %mul3A_66 = arith.constant 624 : i32
    %mul3A_67 = arith.muli %arg1, %mul3A_66 : i32
    %add3A_68 = arith.constant 0 : i32
    %add3A_69 = arith.addi %mul3A_67, %add3A_68 : i32
    %dma_start3A_70 = arith.constant 0 : i32
    %dma_start3A_71 = tpu.memref_slice %arg8[%add3A_69, %dma_start3A_70] : memref<10000x128xf32, #tpu.memory_space<vmem_shared>> -> memref<16x128xf32, #tpu.memory_space<vmem_shared>>
    %dma_start3A_72 = arith.constant 0 : i32
    %dma_start3A_73 = tpu.memref_slice %arg8[%add3A_69, %dma_start3A_72] : memref<10000x128xf32, #tpu.memory_space<vmem_shared>> -> memref<16x128xf32, #tpu.memory_space<vmem_shared>>
    tpu.enqueue_dma source(%arg7 : memref<16x128xf32, #tpu.memory_space<vmem>>) target(%dma_start3A_73 : memref<16x128xf32, #tpu.memory_space<vmem_shared>>) target_semaphore(%arg11 : memref<!tpu.dma_semaphore, #tpu.memory_space<semaphore_mem>>)
    %mul3A_74 = arith.constant 624 : i32
    %mul3A_75 = arith.muli %arg1, %mul3A_74 : i32
    %add3A_76 = arith.constant 16 : i32
    %add3A_77 = arith.addi %mul3A_75, %add3A_76 : i32
    %dma_start3A_78 = arith.constant 0 : i32
    %dma_start3A_79 = tpu.memref_slice %arg8[%add3A_77, %dma_start3A_78] : memref<10000x128xf32, #tpu.memory_space<vmem_shared>> -> memref<16x128xf32, #tpu.memory_space<vmem_shared>>
    %dma_start3A_80 = arith.constant 0 : i32
    %dma_start3A_81 = tpu.memref_slice %arg8[%add3A_77, %dma_start3A_80] : memref<10000x128xf32, #tpu.memory_space<vmem_shared>> -> memref<16x128xf32, #tpu.memory_space<vmem_shared>>
    tpu.enqueue_dma source(%arg7 : memref<16x128xf32, #tpu.memory_space<vmem>>) target(%dma_start3A_81 : memref<16x128xf32, #tpu.memory_space<vmem_shared>>) target_semaphore(%arg11 : memref<!tpu.dma_semaphore, #tpu.memory_space<semaphore_mem>>)
    %mul3A_82 = arith.constant 624 : i32
    %mul3A_83 = arith.muli %arg1, %mul3A_82 : i32
    %add3A_84 = arith.constant 32 : i32
    %add3A_85 = arith.addi %mul3A_83, %add3A_84 : i32
    %dma_start3A_86 = arith.constant 0 : i32
    %dma_start3A_87 = tpu.memref_slice %arg8[%add3A_85, %dma_start3A_86] : memref<10000x128xf32, #tpu.memory_space<vmem_shared>> -> memref<16x128xf32, #tpu.memory_space<vmem_shared>>
    %dma_start3A_88 = arith.constant 0 : i32
    %dma_start3A_89 = tpu.memref_slice %arg8[%add3A_85, %dma_start3A_88] : memref<10000x128xf32, #tpu.memory_space<vmem_shared>> -> memref<16x128xf32, #tpu.memory_space<vmem_shared>>
    tpu.enqueue_dma source(%arg7 : memref<16x128xf32, #tpu.memory_space<vmem>>) target(%dma_start3A_89 : memref<16x128xf32, #tpu.memory_space<vmem_shared>>) target_semaphore(%arg11 : memref<!tpu.dma_semaphore, #tpu.memory_space<semaphore_mem>>)
    %mul3A_90 = arith.constant 624 : i32
    %mul3A_91 = arith.muli %arg1, %mul3A_90 : i32
    %add3A_92 = arith.constant 48 : i32
    %add3A_93 = arith.addi %mul3A_91, %add3A_92 : i32
    %dma_start3A_94 = arith.constant 0 : i32
    %dma_start3A_95 = tpu.memref_slice %arg8[%add3A_93, %dma_start3A_94] : memref<10000x128xf32, #tpu.memory_space<vmem_shared>> -> memref<16x128xf32, #tpu.memory_space<vmem_shared>>
    %dma_start3A_96 = arith.constant 0 : i32
    %dma_start3A_97 = tpu.memref_slice %arg8[%add3A_93, %dma_start3A_96] : memref<10000x128xf32, #tpu.memory_space<vmem_shared>> -> memref<16x128xf32, #tpu.memory_space<vmem_shared>>
    tpu.enqueue_dma source(%arg7 : memref<16x128xf32, #tpu.memory_space<vmem>>) target(%dma_start3A_97 : memref<16x128xf32, #tpu.memory_space<vmem_shared>>) target_semaphore(%arg11 : memref<!tpu.dma_semaphore, #tpu.memory_space<semaphore_mem>>)
    %mul3A_98 = arith.constant 624 : i32
    %mul3A_99 = arith.muli %arg1, %mul3A_98 : i32
    %add3A_100 = arith.constant 64 : i32
    %add3A_101 = arith.addi %mul3A_99, %add3A_100 : i32
    %dma_start3A_102 = arith.constant 0 : i32
    %dma_start3A_103 = tpu.memref_slice %arg8[%add3A_101, %dma_start3A_102] : memref<10000x128xf32, #tpu.memory_space<vmem_shared>> -> memref<16x128xf32, #tpu.memory_space<vmem_shared>>
    %dma_start3A_104 = arith.constant 0 : i32
    %dma_start3A_105 = tpu.memref_slice %arg8[%add3A_101, %dma_start3A_104] : memref<10000x128xf32, #tpu.memory_space<vmem_shared>> -> memref<16x128xf32, #tpu.memory_space<vmem_shared>>
    tpu.enqueue_dma source(%arg7 : memref<16x128xf32, #tpu.memory_space<vmem>>) target(%dma_start3A_105 : memref<16x128xf32, #tpu.memory_space<vmem_shared>>) target_semaphore(%arg11 : memref<!tpu.dma_semaphore, #tpu.memory_space<semaphore_mem>>)
    %mul3A_106 = arith.constant 624 : i32
    %mul3A_107 = arith.muli %arg1, %mul3A_106 : i32
    %add3A_108 = arith.constant 80 : i32
    %add3A_109 = arith.addi %mul3A_107, %add3A_108 : i32
    %dma_start3A_110 = arith.constant 0 : i32
    %dma_start3A_111 = tpu.memref_slice %arg8[%add3A_109, %dma_start3A_110] : memref<10000x128xf32, #tpu.memory_space<vmem_shared>> -> memref<16x128xf32, #tpu.memory_space<vmem_shared>>
    %dma_start3A_112 = arith.constant 0 : i32
    %dma_start3A_113 = tpu.memref_slice %arg8[%add3A_109, %dma_start3A_112] : memref<10000x128xf32, #tpu.memory_space<vmem_shared>> -> memref<16x128xf32, #tpu.memory_space<vmem_shared>>
    tpu.enqueue_dma source(%arg7 : memref<16x128xf32, #tpu.memory_space<vmem>>) target(%dma_start3A_113 : memref<16x128xf32, #tpu.memory_space<vmem_shared>>) target_semaphore(%arg11 : memref<!tpu.dma_semaphore, #tpu.memory_space<semaphore_mem>>)
    %mul3A_114 = arith.constant 624 : i32
    %mul3A_115 = arith.muli %arg1, %mul3A_114 : i32
    %add3A_116 = arith.constant 96 : i32
    %add3A_117 = arith.addi %mul3A_115, %add3A_116 : i32
    %dma_start3A_118 = arith.constant 0 : i32
    %dma_start3A_119 = tpu.memref_slice %arg8[%add3A_117, %dma_start3A_118] : memref<10000x128xf32, #tpu.memory_space<vmem_shared>> -> memref<16x128xf32, #tpu.memory_space<vmem_shared>>
    %dma_start3A_120 = arith.constant 0 : i32
    %dma_start3A_121 = tpu.memref_slice %arg8[%add3A_117, %dma_start3A_120] : memref<10000x128xf32, #tpu.memory_space<vmem_shared>> -> memref<16x128xf32, #tpu.memory_space<vmem_shared>>
    tpu.enqueue_dma source(%arg7 : memref<16x128xf32, #tpu.memory_space<vmem>>) target(%dma_start3A_121 : memref<16x128xf32, #tpu.memory_space<vmem_shared>>) target_semaphore(%arg11 : memref<!tpu.dma_semaphore, #tpu.memory_space<semaphore_mem>>)
    %mul3A_122 = arith.constant 624 : i32
    %mul3A_123 = arith.muli %arg1, %mul3A_122 : i32
    %add3A_124 = arith.constant 112 : i32
    %add3A_125 = arith.addi %mul3A_123, %add3A_124 : i32
    %dma_start3A_126 = arith.constant 0 : i32
    %dma_start3A_127 = tpu.memref_slice %arg8[%add3A_125, %dma_start3A_126] : memref<10000x128xf32, #tpu.memory_space<vmem_shared>> -> memref<16x128xf32, #tpu.memory_space<vmem_shared>>
    %dma_start3A_128 = arith.constant 0 : i32
    %dma_start3A_129 = tpu.memref_slice %arg8[%add3A_125, %dma_start3A_128] : memref<10000x128xf32, #tpu.memory_space<vmem_shared>> -> memref<16x128xf32, #tpu.memory_space<vmem_shared>>
    tpu.enqueue_dma source(%arg7 : memref<16x128xf32, #tpu.memory_space<vmem>>) target(%dma_start3A_129 : memref<16x128xf32, #tpu.memory_space<vmem_shared>>) target_semaphore(%arg11 : memref<!tpu.dma_semaphore, #tpu.memory_space<semaphore_mem>>)
    %mul3A_130 = arith.constant 624 : i32
    %mul3A_131 = arith.muli %arg1, %mul3A_130 : i32
    %add3A_132 = arith.constant 128 : i32
    %add3A_133 = arith.addi %mul3A_131, %add3A_132 : i32
    %dma_start3A_134 = arith.constant 0 : i32
    %dma_start3A_135 = tpu.memref_slice %arg8[%add3A_133, %dma_start3A_134] : memref<10000x128xf32, #tpu.memory_space<vmem_shared>> -> memref<16x128xf32, #tpu.memory_space<vmem_shared>>
    %dma_start3A_136 = arith.constant 0 : i32
    %dma_start3A_137 = tpu.memref_slice %arg8[%add3A_133, %dma_start3A_136] : memref<10000x128xf32, #tpu.memory_space<vmem_shared>> -> memref<16x128xf32, #tpu.memory_space<vmem_shared>>
    tpu.enqueue_dma source(%arg7 : memref<16x128xf32, #tpu.memory_space<vmem>>) target(%dma_start3A_137 : memref<16x128xf32, #tpu.memory_space<vmem_shared>>) target_semaphore(%arg11 : memref<!tpu.dma_semaphore, #tpu.memory_space<semaphore_mem>>)
    %mul3A_138 = arith.constant 624 : i32
    %mul3A_139 = arith.muli %arg1, %mul3A_138 : i32
    %add3A_140 = arith.constant 144 : i32
    %add3A_141 = arith.addi %mul3A_139, %add3A_140 : i32
    %dma_start3A_142 = arith.constant 0 : i32
    %dma_start3A_143 = tpu.memref_slice %arg8[%add3A_141, %dma_start3A_142] : memref<10000x128xf32, #tpu.memory_space<vmem_shared>> -> memref<16x128xf32, #tpu.memory_space<vmem_shared>>
    %dma_start3A_144 = arith.constant 0 : i32
    %dma_start3A_145 = tpu.memref_slice %arg8[%add3A_141, %dma_start3A_144] : memref<10000x128xf32, #tpu.memory_space<vmem_shared>> -> memref<16x128xf32, #tpu.memory_space<vmem_shared>>
    tpu.enqueue_dma source(%arg7 : memref<16x128xf32, #tpu.memory_space<vmem>>) target(%dma_start3A_145 : memref<16x128xf32, #tpu.memory_space<vmem_shared>>) target_semaphore(%arg11 : memref<!tpu.dma_semaphore, #tpu.memory_space<semaphore_mem>>)
    %mul3A_146 = arith.constant 624 : i32
    %mul3A_147 = arith.muli %arg1, %mul3A_146 : i32
    %add3A_148 = arith.constant 160 : i32
    %add3A_149 = arith.addi %mul3A_147, %add3A_148 : i32
    %dma_start3A_150 = arith.constant 0 : i32
    %dma_start3A_151 = tpu.memref_slice %arg8[%add3A_149, %dma_start3A_150] : memref<10000x128xf32, #tpu.memory_space<vmem_shared>> -> memref<16x128xf32, #tpu.memory_space<vmem_shared>>
    %dma_start3A_152 = arith.constant 0 : i32
    %dma_start3A_153 = tpu.memref_slice %arg8[%add3A_149, %dma_start3A_152] : memref<10000x128xf32, #tpu.memory_space<vmem_shared>> -> memref<16x128xf32, #tpu.memory_space<vmem_shared>>
    tpu.enqueue_dma source(%arg7 : memref<16x128xf32, #tpu.memory_space<vmem>>) target(%dma_start3A_153 : memref<16x128xf32, #tpu.memory_space<vmem_shared>>) target_semaphore(%arg11 : memref<!tpu.dma_semaphore, #tpu.memory_space<semaphore_mem>>)
    %mul3A_154 = arith.constant 624 : i32
    %mul3A_155 = arith.muli %arg1, %mul3A_154 : i32
    %add3A_156 = arith.constant 176 : i32
    %add3A_157 = arith.addi %mul3A_155, %add3A_156 : i32
    %dma_start3A_158 = arith.constant 0 : i32
    %dma_start3A_159 = tpu.memref_slice %arg8[%add3A_157, %dma_start3A_158] : memref<10000x128xf32, #tpu.memory_space<vmem_shared>> -> memref<16x128xf32, #tpu.memory_space<vmem_shared>>
    %dma_start3A_160 = arith.constant 0 : i32
    %dma_start3A_161 = tpu.memref_slice %arg8[%add3A_157, %dma_start3A_160] : memref<10000x128xf32, #tpu.memory_space<vmem_shared>> -> memref<16x128xf32, #tpu.memory_space<vmem_shared>>
    tpu.enqueue_dma source(%arg7 : memref<16x128xf32, #tpu.memory_space<vmem>>) target(%dma_start3A_161 : memref<16x128xf32, #tpu.memory_space<vmem_shared>>) target_semaphore(%arg11 : memref<!tpu.dma_semaphore, #tpu.memory_space<semaphore_mem>>)
    %mul3A_162 = arith.constant 624 : i32
    %mul3A_163 = arith.muli %arg1, %mul3A_162 : i32
    %add3A_164 = arith.constant 192 : i32
    %add3A_165 = arith.addi %mul3A_163, %add3A_164 : i32
    %dma_start3A_166 = arith.constant 0 : i32
    %dma_start3A_167 = tpu.memref_slice %arg8[%add3A_165, %dma_start3A_166] : memref<10000x128xf32, #tpu.memory_space<vmem_shared>> -> memref<16x128xf32, #tpu.memory_space<vmem_shared>>
    %dma_start3A_168 = arith.constant 0 : i32
    %dma_start3A_169 = tpu.memref_slice %arg8[%add3A_165, %dma_start3A_168] : memref<10000x128xf32, #tpu.memory_space<vmem_shared>> -> memref<16x128xf32, #tpu.memory_space<vmem_shared>>
    tpu.enqueue_dma source(%arg7 : memref<16x128xf32, #tpu.memory_space<vmem>>) target(%dma_start3A_169 : memref<16x128xf32, #tpu.memory_space<vmem_shared>>) target_semaphore(%arg11 : memref<!tpu.dma_semaphore, #tpu.memory_space<semaphore_mem>>)
    %mul3A_170 = arith.constant 624 : i32
    %mul3A_171 = arith.muli %arg1, %mul3A_170 : i32
    %add3A_172 = arith.constant 208 : i32
    %add3A_173 = arith.addi %mul3A_171, %add3A_172 : i32
    %dma_start3A_174 = arith.constant 0 : i32
    %dma_start3A_175 = tpu.memref_slice %arg8[%add3A_173, %dma_start3A_174] : memref<10000x128xf32, #tpu.memory_space<vmem_shared>> -> memref<16x128xf32, #tpu.memory_space<vmem_shared>>
    %dma_start3A_176 = arith.constant 0 : i32
    %dma_start3A_177 = tpu.memref_slice %arg8[%add3A_173, %dma_start3A_176] : memref<10000x128xf32, #tpu.memory_space<vmem_shared>> -> memref<16x128xf32, #tpu.memory_space<vmem_shared>>
    tpu.enqueue_dma source(%arg7 : memref<16x128xf32, #tpu.memory_space<vmem>>) target(%dma_start3A_177 : memref<16x128xf32, #tpu.memory_space<vmem_shared>>) target_semaphore(%arg11 : memref<!tpu.dma_semaphore, #tpu.memory_space<semaphore_mem>>)
    %mul3A_178 = arith.constant 624 : i32
    %mul3A_179 = arith.muli %arg1, %mul3A_178 : i32
    %add3A_180 = arith.constant 224 : i32
    %add3A_181 = arith.addi %mul3A_179, %add3A_180 : i32
    %dma_start3A_182 = arith.constant 0 : i32
    %dma_start3A_183 = tpu.memref_slice %arg8[%add3A_181, %dma_start3A_182] : memref<10000x128xf32, #tpu.memory_space<vmem_shared>> -> memref<16x128xf32, #tpu.memory_space<vmem_shared>>
    %dma_start3A_184 = arith.constant 0 : i32
    %dma_start3A_185 = tpu.memref_slice %arg8[%add3A_181, %dma_start3A_184] : memref<10000x128xf32, #tpu.memory_space<vmem_shared>> -> memref<16x128xf32, #tpu.memory_space<vmem_shared>>
    tpu.enqueue_dma source(%arg7 : memref<16x128xf32, #tpu.memory_space<vmem>>) target(%dma_start3A_185 : memref<16x128xf32, #tpu.memory_space<vmem_shared>>) target_semaphore(%arg11 : memref<!tpu.dma_semaphore, #tpu.memory_space<semaphore_mem>>)
    %mul3A_186 = arith.constant 624 : i32
    %mul3A_187 = arith.muli %arg1, %mul3A_186 : i32
    %add3A_188 = arith.constant 240 : i32
    %add3A_189 = arith.addi %mul3A_187, %add3A_188 : i32
    %dma_start3A_190 = arith.constant 0 : i32
    %dma_start3A_191 = tpu.memref_slice %arg8[%add3A_189, %dma_start3A_190] : memref<10000x128xf32, #tpu.memory_space<vmem_shared>> -> memref<16x128xf32, #tpu.memory_space<vmem_shared>>
    %dma_start3A_192 = arith.constant 0 : i32
    %dma_start3A_193 = tpu.memref_slice %arg8[%add3A_189, %dma_start3A_192] : memref<10000x128xf32, #tpu.memory_space<vmem_shared>> -> memref<16x128xf32, #tpu.memory_space<vmem_shared>>
    tpu.enqueue_dma source(%arg7 : memref<16x128xf32, #tpu.memory_space<vmem>>) target(%dma_start3A_193 : memref<16x128xf32, #tpu.memory_space<vmem_shared>>) target_semaphore(%arg11 : memref<!tpu.dma_semaphore, #tpu.memory_space<semaphore_mem>>)
    %mul3A_194 = arith.constant 624 : i32
    %mul3A_195 = arith.muli %arg1, %mul3A_194 : i32
    %add3A_196 = arith.constant 256 : i32
    %add3A_197 = arith.addi %mul3A_195, %add3A_196 : i32
    %dma_start3A_198 = arith.constant 0 : i32
    %dma_start3A_199 = tpu.memref_slice %arg8[%add3A_197, %dma_start3A_198] : memref<10000x128xf32, #tpu.memory_space<vmem_shared>> -> memref<16x128xf32, #tpu.memory_space<vmem_shared>>
    %dma_start3A_200 = arith.constant 0 : i32
    %dma_start3A_201 = tpu.memref_slice %arg8[%add3A_197, %dma_start3A_200] : memref<10000x128xf32, #tpu.memory_space<vmem_shared>> -> memref<16x128xf32, #tpu.memory_space<vmem_shared>>
    tpu.enqueue_dma source(%arg7 : memref<16x128xf32, #tpu.memory_space<vmem>>) target(%dma_start3A_201 : memref<16x128xf32, #tpu.memory_space<vmem_shared>>) target_semaphore(%arg11 : memref<!tpu.dma_semaphore, #tpu.memory_space<semaphore_mem>>)
    %mul3A_202 = arith.constant 624 : i32
    %mul3A_203 = arith.muli %arg1, %mul3A_202 : i32
    %add3A_204 = arith.constant 272 : i32
    %add3A_205 = arith.addi %mul3A_203, %add3A_204 : i32
    %dma_start3A_206 = arith.constant 0 : i32
    %dma_start3A_207 = tpu.memref_slice %arg8[%add3A_205, %dma_start3A_206] : memref<10000x128xf32, #tpu.memory_space<vmem_shared>> -> memref<16x128xf32, #tpu.memory_space<vmem_shared>>
    %dma_start3A_208 = arith.constant 0 : i32
    %dma_start3A_209 = tpu.memref_slice %arg8[%add3A_205, %dma_start3A_208] : memref<10000x128xf32, #tpu.memory_space<vmem_shared>> -> memref<16x128xf32, #tpu.memory_space<vmem_shared>>
    tpu.enqueue_dma source(%arg7 : memref<16x128xf32, #tpu.memory_space<vmem>>) target(%dma_start3A_209 : memref<16x128xf32, #tpu.memory_space<vmem_shared>>) target_semaphore(%arg11 : memref<!tpu.dma_semaphore, #tpu.memory_space<semaphore_mem>>)
    %mul3A_210 = arith.constant 624 : i32
    %mul3A_211 = arith.muli %arg1, %mul3A_210 : i32
    %add3A_212 = arith.constant 288 : i32
    %add3A_213 = arith.addi %mul3A_211, %add3A_212 : i32
    %dma_start3A_214 = arith.constant 0 : i32
    %dma_start3A_215 = tpu.memref_slice %arg8[%add3A_213, %dma_start3A_214] : memref<10000x128xf32, #tpu.memory_space<vmem_shared>> -> memref<16x128xf32, #tpu.memory_space<vmem_shared>>
    %dma_start3A_216 = arith.constant 0 : i32
    %dma_start3A_217 = tpu.memref_slice %arg8[%add3A_213, %dma_start3A_216] : memref<10000x128xf32, #tpu.memory_space<vmem_shared>> -> memref<16x128xf32, #tpu.memory_space<vmem_shared>>
    tpu.enqueue_dma source(%arg7 : memref<16x128xf32, #tpu.memory_space<vmem>>) target(%dma_start3A_217 : memref<16x128xf32, #tpu.memory_space<vmem_shared>>) target_semaphore(%arg11 : memref<!tpu.dma_semaphore, #tpu.memory_space<semaphore_mem>>)
    %mul3A_218 = arith.constant 624 : i32
    %mul3A_219 = arith.muli %arg1, %mul3A_218 : i32
    %add3A_220 = arith.constant 304 : i32
    %add3A_221 = arith.addi %mul3A_219, %add3A_220 : i32
    %dma_start3A_222 = arith.constant 0 : i32
    %dma_start3A_223 = tpu.memref_slice %arg8[%add3A_221, %dma_start3A_222] : memref<10000x128xf32, #tpu.memory_space<vmem_shared>> -> memref<16x128xf32, #tpu.memory_space<vmem_shared>>
    %dma_start3A_224 = arith.constant 0 : i32
    %dma_start3A_225 = tpu.memref_slice %arg8[%add3A_221, %dma_start3A_224] : memref<10000x128xf32, #tpu.memory_space<vmem_shared>> -> memref<16x128xf32, #tpu.memory_space<vmem_shared>>
    tpu.enqueue_dma source(%arg7 : memref<16x128xf32, #tpu.memory_space<vmem>>) target(%dma_start3A_225 : memref<16x128xf32, #tpu.memory_space<vmem_shared>>) target_semaphore(%arg11 : memref<!tpu.dma_semaphore, #tpu.memory_space<semaphore_mem>>)
    %mul3A_226 = arith.constant 624 : i32
    %mul3A_227 = arith.muli %arg1, %mul3A_226 : i32
    %add3A_228 = arith.constant 320 : i32
    %add3A_229 = arith.addi %mul3A_227, %add3A_228 : i32
    %dma_start3A_230 = arith.constant 0 : i32
    %dma_start3A_231 = tpu.memref_slice %arg8[%add3A_229, %dma_start3A_230] : memref<10000x128xf32, #tpu.memory_space<vmem_shared>> -> memref<16x128xf32, #tpu.memory_space<vmem_shared>>
    %dma_start3A_232 = arith.constant 0 : i32
    %dma_start3A_233 = tpu.memref_slice %arg8[%add3A_229, %dma_start3A_232] : memref<10000x128xf32, #tpu.memory_space<vmem_shared>> -> memref<16x128xf32, #tpu.memory_space<vmem_shared>>
    tpu.enqueue_dma source(%arg7 : memref<16x128xf32, #tpu.memory_space<vmem>>) target(%dma_start3A_233 : memref<16x128xf32, #tpu.memory_space<vmem_shared>>) target_semaphore(%arg11 : memref<!tpu.dma_semaphore, #tpu.memory_space<semaphore_mem>>)
    %mul3A_234 = arith.constant 624 : i32
    %mul3A_235 = arith.muli %arg1, %mul3A_234 : i32
    %add3A_236 = arith.constant 336 : i32
    %add3A_237 = arith.addi %mul3A_235, %add3A_236 : i32
    %dma_start3A_238 = arith.constant 0 : i32
    %dma_start3A_239 = tpu.memref_slice %arg8[%add3A_237, %dma_start3A_238] : memref<10000x128xf32, #tpu.memory_space<vmem_shared>> -> memref<16x128xf32, #tpu.memory_space<vmem_shared>>
    %dma_start3A_240 = arith.constant 0 : i32
    %dma_start3A_241 = tpu.memref_slice %arg8[%add3A_237, %dma_start3A_240] : memref<10000x128xf32, #tpu.memory_space<vmem_shared>> -> memref<16x128xf32, #tpu.memory_space<vmem_shared>>
    tpu.enqueue_dma source(%arg7 : memref<16x128xf32, #tpu.memory_space<vmem>>) target(%dma_start3A_241 : memref<16x128xf32, #tpu.memory_space<vmem_shared>>) target_semaphore(%arg11 : memref<!tpu.dma_semaphore, #tpu.memory_space<semaphore_mem>>)
    %mul3A_242 = arith.constant 624 : i32
    %mul3A_243 = arith.muli %arg1, %mul3A_242 : i32
    %add3A_244 = arith.constant 352 : i32
    %add3A_245 = arith.addi %mul3A_243, %add3A_244 : i32
    %dma_start3A_246 = arith.constant 0 : i32
    %dma_start3A_247 = tpu.memref_slice %arg8[%add3A_245, %dma_start3A_246] : memref<10000x128xf32, #tpu.memory_space<vmem_shared>> -> memref<16x128xf32, #tpu.memory_space<vmem_shared>>
    %dma_start3A_248 = arith.constant 0 : i32
    %dma_start3A_249 = tpu.memref_slice %arg8[%add3A_245, %dma_start3A_248] : memref<10000x128xf32, #tpu.memory_space<vmem_shared>> -> memref<16x128xf32, #tpu.memory_space<vmem_shared>>
    tpu.enqueue_dma source(%arg7 : memref<16x128xf32, #tpu.memory_space<vmem>>) target(%dma_start3A_249 : memref<16x128xf32, #tpu.memory_space<vmem_shared>>) target_semaphore(%arg11 : memref<!tpu.dma_semaphore, #tpu.memory_space<semaphore_mem>>)
    %mul3A_250 = arith.constant 624 : i32
    %mul3A_251 = arith.muli %arg1, %mul3A_250 : i32
    %add3A_252 = arith.constant 368 : i32
    %add3A_253 = arith.addi %mul3A_251, %add3A_252 : i32
    %dma_start3A_254 = arith.constant 0 : i32
    %dma_start3A_255 = tpu.memref_slice %arg8[%add3A_253, %dma_start3A_254] : memref<10000x128xf32, #tpu.memory_space<vmem_shared>> -> memref<16x128xf32, #tpu.memory_space<vmem_shared>>
    %dma_start3A_256 = arith.constant 0 : i32
    %dma_start3A_257 = tpu.memref_slice %arg8[%add3A_253, %dma_start3A_256] : memref<10000x128xf32, #tpu.memory_space<vmem_shared>> -> memref<16x128xf32, #tpu.memory_space<vmem_shared>>
    tpu.enqueue_dma source(%arg7 : memref<16x128xf32, #tpu.memory_space<vmem>>) target(%dma_start3A_257 : memref<16x128xf32, #tpu.memory_space<vmem_shared>>) target_semaphore(%arg11 : memref<!tpu.dma_semaphore, #tpu.memory_space<semaphore_mem>>)
    %mul3A_258 = arith.constant 624 : i32
    %mul3A_259 = arith.muli %arg1, %mul3A_258 : i32
    %add3A_260 = arith.constant 384 : i32
    %add3A_261 = arith.addi %mul3A_259, %add3A_260 : i32
    %dma_start3A_262 = arith.constant 0 : i32
    %dma_start3A_263 = tpu.memref_slice %arg8[%add3A_261, %dma_start3A_262] : memref<10000x128xf32, #tpu.memory_space<vmem_shared>> -> memref<16x128xf32, #tpu.memory_space<vmem_shared>>
    %dma_start3A_264 = arith.constant 0 : i32
    %dma_start3A_265 = tpu.memref_slice %arg8[%add3A_261, %dma_start3A_264] : memref<10000x128xf32, #tpu.memory_space<vmem_shared>> -> memref<16x128xf32, #tpu.memory_space<vmem_shared>>
    tpu.enqueue_dma source(%arg7 : memref<16x128xf32, #tpu.memory_space<vmem>>) target(%dma_start3A_265 : memref<16x128xf32, #tpu.memory_space<vmem_shared>>) target_semaphore(%arg11 : memref<!tpu.dma_semaphore, #tpu.memory_space<semaphore_mem>>)
    %mul3A_266 = arith.constant 624 : i32
    %mul3A_267 = arith.muli %arg1, %mul3A_266 : i32
    %add3A_268 = arith.constant 400 : i32
    %add3A_269 = arith.addi %mul3A_267, %add3A_268 : i32
    %dma_start3A_270 = arith.constant 0 : i32
    %dma_start3A_271 = tpu.memref_slice %arg8[%add3A_269, %dma_start3A_270] : memref<10000x128xf32, #tpu.memory_space<vmem_shared>> -> memref<16x128xf32, #tpu.memory_space<vmem_shared>>
    %dma_start3A_272 = arith.constant 0 : i32
    %dma_start3A_273 = tpu.memref_slice %arg8[%add3A_269, %dma_start3A_272] : memref<10000x128xf32, #tpu.memory_space<vmem_shared>> -> memref<16x128xf32, #tpu.memory_space<vmem_shared>>
    tpu.enqueue_dma source(%arg7 : memref<16x128xf32, #tpu.memory_space<vmem>>) target(%dma_start3A_273 : memref<16x128xf32, #tpu.memory_space<vmem_shared>>) target_semaphore(%arg11 : memref<!tpu.dma_semaphore, #tpu.memory_space<semaphore_mem>>)
    %mul3A_274 = arith.constant 624 : i32
    %mul3A_275 = arith.muli %arg1, %mul3A_274 : i32
    %add3A_276 = arith.constant 416 : i32
    %add3A_277 = arith.addi %mul3A_275, %add3A_276 : i32
    %dma_start3A_278 = arith.constant 0 : i32
    %dma_start3A_279 = tpu.memref_slice %arg8[%add3A_277, %dma_start3A_278] : memref<10000x128xf32, #tpu.memory_space<vmem_shared>> -> memref<16x128xf32, #tpu.memory_space<vmem_shared>>
    %dma_start3A_280 = arith.constant 0 : i32
    %dma_start3A_281 = tpu.memref_slice %arg8[%add3A_277, %dma_start3A_280] : memref<10000x128xf32, #tpu.memory_space<vmem_shared>> -> memref<16x128xf32, #tpu.memory_space<vmem_shared>>
    tpu.enqueue_dma source(%arg7 : memref<16x128xf32, #tpu.memory_space<vmem>>) target(%dma_start3A_281 : memref<16x128xf32, #tpu.memory_space<vmem_shared>>) target_semaphore(%arg11 : memref<!tpu.dma_semaphore, #tpu.memory_space<semaphore_mem>>)
    %mul3A_282 = arith.constant 624 : i32
    %mul3A_283 = arith.muli %arg1, %mul3A_282 : i32
    %add3A_284 = arith.constant 432 : i32
    %add3A_285 = arith.addi %mul3A_283, %add3A_284 : i32
    %dma_start3A_286 = arith.constant 0 : i32
    %dma_start3A_287 = tpu.memref_slice %arg8[%add3A_285, %dma_start3A_286] : memref<10000x128xf32, #tpu.memory_space<vmem_shared>> -> memref<16x128xf32, #tpu.memory_space<vmem_shared>>
    %dma_start3A_288 = arith.constant 0 : i32
    %dma_start3A_289 = tpu.memref_slice %arg8[%add3A_285, %dma_start3A_288] : memref<10000x128xf32, #tpu.memory_space<vmem_shared>> -> memref<16x128xf32, #tpu.memory_space<vmem_shared>>
    tpu.enqueue_dma source(%arg7 : memref<16x128xf32, #tpu.memory_space<vmem>>) target(%dma_start3A_289 : memref<16x128xf32, #tpu.memory_space<vmem_shared>>) target_semaphore(%arg11 : memref<!tpu.dma_semaphore, #tpu.memory_space<semaphore_mem>>)
    %mul3A_290 = arith.constant 624 : i32
    %mul3A_291 = arith.muli %arg1, %mul3A_290 : i32
    %add3A_292 = arith.constant 448 : i32
    %add3A_293 = arith.addi %mul3A_291, %add3A_292 : i32
    %dma_start3A_294 = arith.constant 0 : i32
    %dma_start3A_295 = tpu.memref_slice %arg8[%add3A_293, %dma_start3A_294] : memref<10000x128xf32, #tpu.memory_space<vmem_shared>> -> memref<16x128xf32, #tpu.memory_space<vmem_shared>>
    %dma_start3A_296 = arith.constant 0 : i32
    %dma_start3A_297 = tpu.memref_slice %arg8[%add3A_293, %dma_start3A_296] : memref<10000x128xf32, #tpu.memory_space<vmem_shared>> -> memref<16x128xf32, #tpu.memory_space<vmem_shared>>
    tpu.enqueue_dma source(%arg7 : memref<16x128xf32, #tpu.memory_space<vmem>>) target(%dma_start3A_297 : memref<16x128xf32, #tpu.memory_space<vmem_shared>>) target_semaphore(%arg11 : memref<!tpu.dma_semaphore, #tpu.memory_space<semaphore_mem>>)
    %mul3A_298 = arith.constant 624 : i32
    %mul3A_299 = arith.muli %arg1, %mul3A_298 : i32
    %add3A_300 = arith.constant 464 : i32
    %add3A_301 = arith.addi %mul3A_299, %add3A_300 : i32
    %dma_start3A_302 = arith.constant 0 : i32
    %dma_start3A_303 = tpu.memref_slice %arg8[%add3A_301, %dma_start3A_302] : memref<10000x128xf32, #tpu.memory_space<vmem_shared>> -> memref<16x128xf32, #tpu.memory_space<vmem_shared>>
    %dma_start3A_304 = arith.constant 0 : i32
    %dma_start3A_305 = tpu.memref_slice %arg8[%add3A_301, %dma_start3A_304] : memref<10000x128xf32, #tpu.memory_space<vmem_shared>> -> memref<16x128xf32, #tpu.memory_space<vmem_shared>>
    tpu.enqueue_dma source(%arg7 : memref<16x128xf32, #tpu.memory_space<vmem>>) target(%dma_start3A_305 : memref<16x128xf32, #tpu.memory_space<vmem_shared>>) target_semaphore(%arg11 : memref<!tpu.dma_semaphore, #tpu.memory_space<semaphore_mem>>)
    %mul3A_306 = arith.constant 624 : i32
    %mul3A_307 = arith.muli %arg1, %mul3A_306 : i32
    %add3A_308 = arith.constant 480 : i32
    %add3A_309 = arith.addi %mul3A_307, %add3A_308 : i32
    %dma_start3A_310 = arith.constant 0 : i32
    %dma_start3A_311 = tpu.memref_slice %arg8[%add3A_309, %dma_start3A_310] : memref<10000x128xf32, #tpu.memory_space<vmem_shared>> -> memref<16x128xf32, #tpu.memory_space<vmem_shared>>
    %dma_start3A_312 = arith.constant 0 : i32
    %dma_start3A_313 = tpu.memref_slice %arg8[%add3A_309, %dma_start3A_312] : memref<10000x128xf32, #tpu.memory_space<vmem_shared>> -> memref<16x128xf32, #tpu.memory_space<vmem_shared>>
    tpu.enqueue_dma source(%arg7 : memref<16x128xf32, #tpu.memory_space<vmem>>) target(%dma_start3A_313 : memref<16x128xf32, #tpu.memory_space<vmem_shared>>) target_semaphore(%arg11 : memref<!tpu.dma_semaphore, #tpu.memory_space<semaphore_mem>>)
    %mul3A_314 = arith.constant 624 : i32
    %mul3A_315 = arith.muli %arg1, %mul3A_314 : i32
    %add3A_316 = arith.constant 496 : i32
    %add3A_317 = arith.addi %mul3A_315, %add3A_316 : i32
    %dma_start3A_318 = arith.constant 0 : i32
    %dma_start3A_319 = tpu.memref_slice %arg8[%add3A_317, %dma_start3A_318] : memref<10000x128xf32, #tpu.memory_space<vmem_shared>> -> memref<16x128xf32, #tpu.memory_space<vmem_shared>>
    %dma_start3A_320 = arith.constant 0 : i32
    %dma_start3A_321 = tpu.memref_slice %arg8[%add3A_317, %dma_start3A_320] : memref<10000x128xf32, #tpu.memory_space<vmem_shared>> -> memref<16x128xf32, #tpu.memory_space<vmem_shared>>
    tpu.enqueue_dma source(%arg7 : memref<16x128xf32, #tpu.memory_space<vmem>>) target(%dma_start3A_321 : memref<16x128xf32, #tpu.memory_space<vmem_shared>>) target_semaphore(%arg11 : memref<!tpu.dma_semaphore, #tpu.memory_space<semaphore_mem>>)
    %mul3A_322 = arith.constant 624 : i32
    %mul3A_323 = arith.muli %arg1, %mul3A_322 : i32
    %add3A_324 = arith.constant 512 : i32
    %add3A_325 = arith.addi %mul3A_323, %add3A_324 : i32
    %dma_start3A_326 = arith.constant 0 : i32
    %dma_start3A_327 = tpu.memref_slice %arg8[%add3A_325, %dma_start3A_326] : memref<10000x128xf32, #tpu.memory_space<vmem_shared>> -> memref<16x128xf32, #tpu.memory_space<vmem_shared>>
    %dma_start3A_328 = arith.constant 0 : i32
    %dma_start3A_329 = tpu.memref_slice %arg8[%add3A_325, %dma_start3A_328] : memref<10000x128xf32, #tpu.memory_space<vmem_shared>> -> memref<16x128xf32, #tpu.memory_space<vmem_shared>>
    tpu.enqueue_dma source(%arg7 : memref<16x128xf32, #tpu.memory_space<vmem>>) target(%dma_start3A_329 : memref<16x128xf32, #tpu.memory_space<vmem_shared>>) target_semaphore(%arg11 : memref<!tpu.dma_semaphore, #tpu.memory_space<semaphore_mem>>)
    %mul3A_330 = arith.constant 624 : i32
    %mul3A_331 = arith.muli %arg1, %mul3A_330 : i32
    %add3A_332 = arith.constant 528 : i32
    %add3A_333 = arith.addi %mul3A_331, %add3A_332 : i32
    %dma_start3A_334 = arith.constant 0 : i32
    %dma_start3A_335 = tpu.memref_slice %arg8[%add3A_333, %dma_start3A_334] : memref<10000x128xf32, #tpu.memory_space<vmem_shared>> -> memref<16x128xf32, #tpu.memory_space<vmem_shared>>
    %dma_start3A_336 = arith.constant 0 : i32
    %dma_start3A_337 = tpu.memref_slice %arg8[%add3A_333, %dma_start3A_336] : memref<10000x128xf32, #tpu.memory_space<vmem_shared>> -> memref<16x128xf32, #tpu.memory_space<vmem_shared>>
    tpu.enqueue_dma source(%arg7 : memref<16x128xf32, #tpu.memory_space<vmem>>) target(%dma_start3A_337 : memref<16x128xf32, #tpu.memory_space<vmem_shared>>) target_semaphore(%arg11 : memref<!tpu.dma_semaphore, #tpu.memory_space<semaphore_mem>>)
    %mul3A_338 = arith.constant 624 : i32
    %mul3A_339 = arith.muli %arg1, %mul3A_338 : i32
    %add3A_340 = arith.constant 544 : i32
    %add3A_341 = arith.addi %mul3A_339, %add3A_340 : i32
    %dma_start3A_342 = arith.constant 0 : i32
    %dma_start3A_343 = tpu.memref_slice %arg8[%add3A_341, %dma_start3A_342] : memref<10000x128xf32, #tpu.memory_space<vmem_shared>> -> memref<16x128xf32, #tpu.memory_space<vmem_shared>>
    %dma_start3A_344 = arith.constant 0 : i32
    %dma_start3A_345 = tpu.memref_slice %arg8[%add3A_341, %dma_start3A_344] : memref<10000x128xf32, #tpu.memory_space<vmem_shared>> -> memref<16x128xf32, #tpu.memory_space<vmem_shared>>
    tpu.enqueue_dma source(%arg7 : memref<16x128xf32, #tpu.memory_space<vmem>>) target(%dma_start3A_345 : memref<16x128xf32, #tpu.memory_space<vmem_shared>>) target_semaphore(%arg11 : memref<!tpu.dma_semaphore, #tpu.memory_space<semaphore_mem>>)
    %mul3A_346 = arith.constant 624 : i32
    %mul3A_347 = arith.muli %arg1, %mul3A_346 : i32
    %add3A_348 = arith.constant 560 : i32
    %add3A_349 = arith.addi %mul3A_347, %add3A_348 : i32
    %dma_start3A_350 = arith.constant 0 : i32
    %dma_start3A_351 = tpu.memref_slice %arg8[%add3A_349, %dma_start3A_350] : memref<10000x128xf32, #tpu.memory_space<vmem_shared>> -> memref<16x128xf32, #tpu.memory_space<vmem_shared>>
    %dma_start3A_352 = arith.constant 0 : i32
    %dma_start3A_353 = tpu.memref_slice %arg8[%add3A_349, %dma_start3A_352] : memref<10000x128xf32, #tpu.memory_space<vmem_shared>> -> memref<16x128xf32, #tpu.memory_space<vmem_shared>>
    tpu.enqueue_dma source(%arg7 : memref<16x128xf32, #tpu.memory_space<vmem>>) target(%dma_start3A_353 : memref<16x128xf32, #tpu.memory_space<vmem_shared>>) target_semaphore(%arg11 : memref<!tpu.dma_semaphore, #tpu.memory_space<semaphore_mem>>)
    %mul3A_354 = arith.constant 624 : i32
    %mul3A_355 = arith.muli %arg1, %mul3A_354 : i32
    %add3A_356 = arith.constant 576 : i32
    %add3A_357 = arith.addi %mul3A_355, %add3A_356 : i32
    %dma_start3A_358 = arith.constant 0 : i32
    %dma_start3A_359 = tpu.memref_slice %arg8[%add3A_357, %dma_start3A_358] : memref<10000x128xf32, #tpu.memory_space<vmem_shared>> -> memref<16x128xf32, #tpu.memory_space<vmem_shared>>
    %dma_start3A_360 = arith.constant 0 : i32
    %dma_start3A_361 = tpu.memref_slice %arg8[%add3A_357, %dma_start3A_360] : memref<10000x128xf32, #tpu.memory_space<vmem_shared>> -> memref<16x128xf32, #tpu.memory_space<vmem_shared>>
    tpu.enqueue_dma source(%arg7 : memref<16x128xf32, #tpu.memory_space<vmem>>) target(%dma_start3A_361 : memref<16x128xf32, #tpu.memory_space<vmem_shared>>) target_semaphore(%arg11 : memref<!tpu.dma_semaphore, #tpu.memory_space<semaphore_mem>>)
    %mul3A_362 = arith.constant 624 : i32
    %mul3A_363 = arith.muli %arg1, %mul3A_362 : i32
    %add3A_364 = arith.constant 592 : i32
    %add3A_365 = arith.addi %mul3A_363, %add3A_364 : i32
    %dma_start3A_366 = arith.constant 0 : i32
    %dma_start3A_367 = tpu.memref_slice %arg8[%add3A_365, %dma_start3A_366] : memref<10000x128xf32, #tpu.memory_space<vmem_shared>> -> memref<16x128xf32, #tpu.memory_space<vmem_shared>>
    %dma_start3A_368 = arith.constant 0 : i32
    %dma_start3A_369 = tpu.memref_slice %arg8[%add3A_365, %dma_start3A_368] : memref<10000x128xf32, #tpu.memory_space<vmem_shared>> -> memref<16x128xf32, #tpu.memory_space<vmem_shared>>
    tpu.enqueue_dma source(%arg7 : memref<16x128xf32, #tpu.memory_space<vmem>>) target(%dma_start3A_369 : memref<16x128xf32, #tpu.memory_space<vmem_shared>>) target_semaphore(%arg11 : memref<!tpu.dma_semaphore, #tpu.memory_space<semaphore_mem>>)
    %mul3A_370 = arith.constant 624 : i32
    %mul3A_371 = arith.muli %arg1, %mul3A_370 : i32
    %add3A_372 = arith.constant 608 : i32
    %add3A_373 = arith.addi %mul3A_371, %add3A_372 : i32
    %dma_start3A_374 = arith.constant 0 : i32
    %dma_start3A_375 = tpu.memref_slice %arg8[%add3A_373, %dma_start3A_374] : memref<10000x128xf32, #tpu.memory_space<vmem_shared>> -> memref<16x128xf32, #tpu.memory_space<vmem_shared>>
    %dma_start3A_376 = arith.constant 0 : i32
    %dma_start3A_377 = tpu.memref_slice %arg8[%add3A_373, %dma_start3A_376] : memref<10000x128xf32, #tpu.memory_space<vmem_shared>> -> memref<16x128xf32, #tpu.memory_space<vmem_shared>>
    tpu.enqueue_dma source(%arg7 : memref<16x128xf32, #tpu.memory_space<vmem>>) target(%dma_start3A_377 : memref<16x128xf32, #tpu.memory_space<vmem_shared>>) target_semaphore(%arg11 : memref<!tpu.dma_semaphore, #tpu.memory_space<semaphore_mem>>)
    %eq3A = arith.constant 15 : i32
    %eq3A_378 = arith.cmpi eq, %arg1, %eq3A : i32
    %convert_element_type3A = arith.extui %eq3A_378 : i1 to i32
    %cond3A = arith.constant 0 : i32
    %cond3A_379 = arith.cmpi ne, %convert_element_type3A, %cond3A : i32
    scf.if %cond3A_379 {
      %dma_start3A_669 = arith.constant 0 : i32
      %dma_start3A_670 = arith.constant 0 : i32
      %dma_start3A_671 = tpu.memref_slice %arg7[%dma_start3A_669, %dma_start3A_670] : memref<16x128xf32, #tpu.memory_space<vmem>> -> memref<16x128xf32, #tpu.memory_space<vmem>>
      %dma_start3A_672 = arith.constant 9984 : i32
      %dma_start3A_673 = arith.constant 0 : i32
      %dma_start3A_674 = tpu.memref_slice %arg8[%dma_start3A_672, %dma_start3A_673] : memref<10000x128xf32, #tpu.memory_space<vmem_shared>> -> memref<16x128xf32, #tpu.memory_space<vmem_shared>>
      %dma_start3A_675 = arith.constant 9984 : i32
      %dma_start3A_676 = arith.constant 0 : i32
      %dma_start3A_677 = tpu.memref_slice %arg8[%dma_start3A_675, %dma_start3A_676] : memref<10000x128xf32, #tpu.memory_space<vmem_shared>> -> memref<16x128xf32, #tpu.memory_space<vmem_shared>>
      %dma_start3A_678 = arith.constant 0 : i32
      %dma_start3A_679 = arith.constant 0 : i32
      %dma_start3A_680 = tpu.memref_slice %arg7[%dma_start3A_678, %dma_start3A_679] : memref<16x128xf32, #tpu.memory_space<vmem>> -> memref<16x128xf32, #tpu.memory_space<vmem>>
      tpu.enqueue_dma source(%dma_start3A_680 : memref<16x128xf32, #tpu.memory_space<vmem>>) target(%dma_start3A_677 : memref<16x128xf32, #tpu.memory_space<vmem_shared>>) target_semaphore(%arg11 : memref<!tpu.dma_semaphore, #tpu.memory_space<semaphore_mem>>)
    } else {
    }
    %dma_wait3A = arith.constant 0 : i32
    %dma_wait3A_380 = arith.constant 0 : i32
    %dma_wait3A_381 = tpu.memref_slice %arg8[%dma_wait3A, %dma_wait3A_380] : memref<10000x128xf32, #tpu.memory_space<vmem_shared>> -> memref<16x128xf32, #tpu.memory_space<vmem_shared>>
    %dma_wait3A_382 = arith.constant 0 : i32
    %dma_wait3A_383 = arith.constant 0 : i32
    %dma_wait3A_384 = tpu.memref_slice %arg8[%dma_wait3A_382, %dma_wait3A_383] : memref<10000x128xf32, #tpu.memory_space<vmem_shared>> -> memref<16x128xf32, #tpu.memory_space<vmem_shared>>
    tpu.wait_dma2 semaphore(%arg11 : memref<!tpu.dma_semaphore, #tpu.memory_space<semaphore_mem>>) src(%arg7 : memref<16x128xf32, #tpu.memory_space<vmem>>) dst(%dma_wait3A_384 : memref<16x128xf32, #tpu.memory_space<vmem_shared>>)
    %dma_wait3A_385 = arith.constant 0 : i32
    %dma_wait3A_386 = arith.constant 0 : i32
    %dma_wait3A_387 = tpu.memref_slice %arg8[%dma_wait3A_385, %dma_wait3A_386] : memref<10000x128xf32, #tpu.memory_space<vmem_shared>> -> memref<16x128xf32, #tpu.memory_space<vmem_shared>>
    %dma_wait3A_388 = arith.constant 0 : i32
    %dma_wait3A_389 = arith.constant 0 : i32
    %dma_wait3A_390 = tpu.memref_slice %arg8[%dma_wait3A_388, %dma_wait3A_389] : memref<10000x128xf32, #tpu.memory_space<vmem_shared>> -> memref<16x128xf32, #tpu.memory_space<vmem_shared>>
    tpu.wait_dma2 semaphore(%arg11 : memref<!tpu.dma_semaphore, #tpu.memory_space<semaphore_mem>>) src(%arg7 : memref<16x128xf32, #tpu.memory_space<vmem>>) dst(%dma_wait3A_390 : memref<16x128xf32, #tpu.memory_space<vmem_shared>>)
    %dma_wait3A_391 = arith.constant 0 : i32
    %dma_wait3A_392 = arith.constant 0 : i32
    %dma_wait3A_393 = tpu.memref_slice %arg8[%dma_wait3A_391, %dma_wait3A_392] : memref<10000x128xf32, #tpu.memory_space<vmem_shared>> -> memref<16x128xf32, #tpu.memory_space<vmem_shared>>
    %dma_wait3A_394 = arith.constant 0 : i32
    %dma_wait3A_395 = arith.constant 0 : i32
    %dma_wait3A_396 = tpu.memref_slice %arg8[%dma_wait3A_394, %dma_wait3A_395] : memref<10000x128xf32, #tpu.memory_space<vmem_shared>> -> memref<16x128xf32, #tpu.memory_space<vmem_shared>>
    tpu.wait_dma2 semaphore(%arg11 : memref<!tpu.dma_semaphore, #tpu.memory_space<semaphore_mem>>) src(%arg7 : memref<16x128xf32, #tpu.memory_space<vmem>>) dst(%dma_wait3A_396 : memref<16x128xf32, #tpu.memory_space<vmem_shared>>)
    %dma_wait3A_397 = arith.constant 0 : i32
    %dma_wait3A_398 = arith.constant 0 : i32
    %dma_wait3A_399 = tpu.memref_slice %arg8[%dma_wait3A_397, %dma_wait3A_398] : memref<10000x128xf32, #tpu.memory_space<vmem_shared>> -> memref<16x128xf32, #tpu.memory_space<vmem_shared>>
    %dma_wait3A_400 = arith.constant 0 : i32
    %dma_wait3A_401 = arith.constant 0 : i32
    %dma_wait3A_402 = tpu.memref_slice %arg8[%dma_wait3A_400, %dma_wait3A_401] : memref<10000x128xf32, #tpu.memory_space<vmem_shared>> -> memref<16x128xf32, #tpu.memory_space<vmem_shared>>
    tpu.wait_dma2 semaphore(%arg11 : memref<!tpu.dma_semaphore, #tpu.memory_space<semaphore_mem>>) src(%arg7 : memref<16x128xf32, #tpu.memory_space<vmem>>) dst(%dma_wait3A_402 : memref<16x128xf32, #tpu.memory_space<vmem_shared>>)
    %dma_wait3A_403 = arith.constant 0 : i32
    %dma_wait3A_404 = arith.constant 0 : i32
    %dma_wait3A_405 = tpu.memref_slice %arg8[%dma_wait3A_403, %dma_wait3A_404] : memref<10000x128xf32, #tpu.memory_space<vmem_shared>> -> memref<16x128xf32, #tpu.memory_space<vmem_shared>>
    %dma_wait3A_406 = arith.constant 0 : i32
    %dma_wait3A_407 = arith.constant 0 : i32
    %dma_wait3A_408 = tpu.memref_slice %arg8[%dma_wait3A_406, %dma_wait3A_407] : memref<10000x128xf32, #tpu.memory_space<vmem_shared>> -> memref<16x128xf32, #tpu.memory_space<vmem_shared>>
    tpu.wait_dma2 semaphore(%arg11 : memref<!tpu.dma_semaphore, #tpu.memory_space<semaphore_mem>>) src(%arg7 : memref<16x128xf32, #tpu.memory_space<vmem>>) dst(%dma_wait3A_408 : memref<16x128xf32, #tpu.memory_space<vmem_shared>>)
    %dma_wait3A_409 = arith.constant 0 : i32
    %dma_wait3A_410 = arith.constant 0 : i32
    %dma_wait3A_411 = tpu.memref_slice %arg8[%dma_wait3A_409, %dma_wait3A_410] : memref<10000x128xf32, #tpu.memory_space<vmem_shared>> -> memref<16x128xf32, #tpu.memory_space<vmem_shared>>
    %dma_wait3A_412 = arith.constant 0 : i32
    %dma_wait3A_413 = arith.constant 0 : i32
    %dma_wait3A_414 = tpu.memref_slice %arg8[%dma_wait3A_412, %dma_wait3A_413] : memref<10000x128xf32, #tpu.memory_space<vmem_shared>> -> memref<16x128xf32, #tpu.memory_space<vmem_shared>>
    tpu.wait_dma2 semaphore(%arg11 : memref<!tpu.dma_semaphore, #tpu.memory_space<semaphore_mem>>) src(%arg7 : memref<16x128xf32, #tpu.memory_space<vmem>>) dst(%dma_wait3A_414 : memref<16x128xf32, #tpu.memory_space<vmem_shared>>)
    %dma_wait3A_415 = arith.constant 0 : i32
    %dma_wait3A_416 = arith.constant 0 : i32
    %dma_wait3A_417 = tpu.memref_slice %arg8[%dma_wait3A_415, %dma_wait3A_416] : memref<10000x128xf32, #tpu.memory_space<vmem_shared>> -> memref<16x128xf32, #tpu.memory_space<vmem_shared>>
    %dma_wait3A_418 = arith.constant 0 : i32
    %dma_wait3A_419 = arith.constant 0 : i32
    %dma_wait3A_420 = tpu.memref_slice %arg8[%dma_wait3A_418, %dma_wait3A_419] : memref<10000x128xf32, #tpu.memory_space<vmem_shared>> -> memref<16x128xf32, #tpu.memory_space<vmem_shared>>
    tpu.wait_dma2 semaphore(%arg11 : memref<!tpu.dma_semaphore, #tpu.memory_space<semaphore_mem>>) src(%arg7 : memref<16x128xf32, #tpu.memory_space<vmem>>) dst(%dma_wait3A_420 : memref<16x128xf32, #tpu.memory_space<vmem_shared>>)
    %dma_wait3A_421 = arith.constant 0 : i32
    %dma_wait3A_422 = arith.constant 0 : i32
    %dma_wait3A_423 = tpu.memref_slice %arg8[%dma_wait3A_421, %dma_wait3A_422] : memref<10000x128xf32, #tpu.memory_space<vmem_shared>> -> memref<16x128xf32, #tpu.memory_space<vmem_shared>>
    %dma_wait3A_424 = arith.constant 0 : i32
    %dma_wait3A_425 = arith.constant 0 : i32
    %dma_wait3A_426 = tpu.memref_slice %arg8[%dma_wait3A_424, %dma_wait3A_425] : memref<10000x128xf32, #tpu.memory_space<vmem_shared>> -> memref<16x128xf32, #tpu.memory_space<vmem_shared>>
    tpu.wait_dma2 semaphore(%arg11 : memref<!tpu.dma_semaphore, #tpu.memory_space<semaphore_mem>>) src(%arg7 : memref<16x128xf32, #tpu.memory_space<vmem>>) dst(%dma_wait3A_426 : memref<16x128xf32, #tpu.memory_space<vmem_shared>>)
    %dma_wait3A_427 = arith.constant 0 : i32
    %dma_wait3A_428 = arith.constant 0 : i32
    %dma_wait3A_429 = tpu.memref_slice %arg8[%dma_wait3A_427, %dma_wait3A_428] : memref<10000x128xf32, #tpu.memory_space<vmem_shared>> -> memref<16x128xf32, #tpu.memory_space<vmem_shared>>
    %dma_wait3A_430 = arith.constant 0 : i32
    %dma_wait3A_431 = arith.constant 0 : i32
    %dma_wait3A_432 = tpu.memref_slice %arg8[%dma_wait3A_430, %dma_wait3A_431] : memref<10000x128xf32, #tpu.memory_space<vmem_shared>> -> memref<16x128xf32, #tpu.memory_space<vmem_shared>>
    tpu.wait_dma2 semaphore(%arg11 : memref<!tpu.dma_semaphore, #tpu.memory_space<semaphore_mem>>) src(%arg7 : memref<16x128xf32, #tpu.memory_space<vmem>>) dst(%dma_wait3A_432 : memref<16x128xf32, #tpu.memory_space<vmem_shared>>)
    %dma_wait3A_433 = arith.constant 0 : i32
    %dma_wait3A_434 = arith.constant 0 : i32
    %dma_wait3A_435 = tpu.memref_slice %arg8[%dma_wait3A_433, %dma_wait3A_434] : memref<10000x128xf32, #tpu.memory_space<vmem_shared>> -> memref<16x128xf32, #tpu.memory_space<vmem_shared>>
    %dma_wait3A_436 = arith.constant 0 : i32
    %dma_wait3A_437 = arith.constant 0 : i32
    %dma_wait3A_438 = tpu.memref_slice %arg8[%dma_wait3A_436, %dma_wait3A_437] : memref<10000x128xf32, #tpu.memory_space<vmem_shared>> -> memref<16x128xf32, #tpu.memory_space<vmem_shared>>
    tpu.wait_dma2 semaphore(%arg11 : memref<!tpu.dma_semaphore, #tpu.memory_space<semaphore_mem>>) src(%arg7 : memref<16x128xf32, #tpu.memory_space<vmem>>) dst(%dma_wait3A_438 : memref<16x128xf32, #tpu.memory_space<vmem_shared>>)
    %dma_wait3A_439 = arith.constant 0 : i32
    %dma_wait3A_440 = arith.constant 0 : i32
    %dma_wait3A_441 = tpu.memref_slice %arg8[%dma_wait3A_439, %dma_wait3A_440] : memref<10000x128xf32, #tpu.memory_space<vmem_shared>> -> memref<16x128xf32, #tpu.memory_space<vmem_shared>>
    %dma_wait3A_442 = arith.constant 0 : i32
    %dma_wait3A_443 = arith.constant 0 : i32
    %dma_wait3A_444 = tpu.memref_slice %arg8[%dma_wait3A_442, %dma_wait3A_443] : memref<10000x128xf32, #tpu.memory_space<vmem_shared>> -> memref<16x128xf32, #tpu.memory_space<vmem_shared>>
    tpu.wait_dma2 semaphore(%arg11 : memref<!tpu.dma_semaphore, #tpu.memory_space<semaphore_mem>>) src(%arg7 : memref<16x128xf32, #tpu.memory_space<vmem>>) dst(%dma_wait3A_444 : memref<16x128xf32, #tpu.memory_space<vmem_shared>>)
    %dma_wait3A_445 = arith.constant 0 : i32
    %dma_wait3A_446 = arith.constant 0 : i32
    %dma_wait3A_447 = tpu.memref_slice %arg8[%dma_wait3A_445, %dma_wait3A_446] : memref<10000x128xf32, #tpu.memory_space<vmem_shared>> -> memref<16x128xf32, #tpu.memory_space<vmem_shared>>
    %dma_wait3A_448 = arith.constant 0 : i32
    %dma_wait3A_449 = arith.constant 0 : i32
    %dma_wait3A_450 = tpu.memref_slice %arg8[%dma_wait3A_448, %dma_wait3A_449] : memref<10000x128xf32, #tpu.memory_space<vmem_shared>> -> memref<16x128xf32, #tpu.memory_space<vmem_shared>>
    tpu.wait_dma2 semaphore(%arg11 : memref<!tpu.dma_semaphore, #tpu.memory_space<semaphore_mem>>) src(%arg7 : memref<16x128xf32, #tpu.memory_space<vmem>>) dst(%dma_wait3A_450 : memref<16x128xf32, #tpu.memory_space<vmem_shared>>)
    %dma_wait3A_451 = arith.constant 0 : i32
    %dma_wait3A_452 = arith.constant 0 : i32
    %dma_wait3A_453 = tpu.memref_slice %arg8[%dma_wait3A_451, %dma_wait3A_452] : memref<10000x128xf32, #tpu.memory_space<vmem_shared>> -> memref<16x128xf32, #tpu.memory_space<vmem_shared>>
    %dma_wait3A_454 = arith.constant 0 : i32
    %dma_wait3A_455 = arith.constant 0 : i32
    %dma_wait3A_456 = tpu.memref_slice %arg8[%dma_wait3A_454, %dma_wait3A_455] : memref<10000x128xf32, #tpu.memory_space<vmem_shared>> -> memref<16x128xf32, #tpu.memory_space<vmem_shared>>
    tpu.wait_dma2 semaphore(%arg11 : memref<!tpu.dma_semaphore, #tpu.memory_space<semaphore_mem>>) src(%arg7 : memref<16x128xf32, #tpu.memory_space<vmem>>) dst(%dma_wait3A_456 : memref<16x128xf32, #tpu.memory_space<vmem_shared>>)
    %dma_wait3A_457 = arith.constant 0 : i32
    %dma_wait3A_458 = arith.constant 0 : i32
    %dma_wait3A_459 = tpu.memref_slice %arg8[%dma_wait3A_457, %dma_wait3A_458] : memref<10000x128xf32, #tpu.memory_space<vmem_shared>> -> memref<16x128xf32, #tpu.memory_space<vmem_shared>>
    %dma_wait3A_460 = arith.constant 0 : i32
    %dma_wait3A_461 = arith.constant 0 : i32
    %dma_wait3A_462 = tpu.memref_slice %arg8[%dma_wait3A_460, %dma_wait3A_461] : memref<10000x128xf32, #tpu.memory_space<vmem_shared>> -> memref<16x128xf32, #tpu.memory_space<vmem_shared>>
    tpu.wait_dma2 semaphore(%arg11 : memref<!tpu.dma_semaphore, #tpu.memory_space<semaphore_mem>>) src(%arg7 : memref<16x128xf32, #tpu.memory_space<vmem>>) dst(%dma_wait3A_462 : memref<16x128xf32, #tpu.memory_space<vmem_shared>>)
    %dma_wait3A_463 = arith.constant 0 : i32
    %dma_wait3A_464 = arith.constant 0 : i32
    %dma_wait3A_465 = tpu.memref_slice %arg8[%dma_wait3A_463, %dma_wait3A_464] : memref<10000x128xf32, #tpu.memory_space<vmem_shared>> -> memref<16x128xf32, #tpu.memory_space<vmem_shared>>
    %dma_wait3A_466 = arith.constant 0 : i32
    %dma_wait3A_467 = arith.constant 0 : i32
    %dma_wait3A_468 = tpu.memref_slice %arg8[%dma_wait3A_466, %dma_wait3A_467] : memref<10000x128xf32, #tpu.memory_space<vmem_shared>> -> memref<16x128xf32, #tpu.memory_space<vmem_shared>>
    tpu.wait_dma2 semaphore(%arg11 : memref<!tpu.dma_semaphore, #tpu.memory_space<semaphore_mem>>) src(%arg7 : memref<16x128xf32, #tpu.memory_space<vmem>>) dst(%dma_wait3A_468 : memref<16x128xf32, #tpu.memory_space<vmem_shared>>)
    %dma_wait3A_469 = arith.constant 0 : i32
    %dma_wait3A_470 = arith.constant 0 : i32
    %dma_wait3A_471 = tpu.memref_slice %arg8[%dma_wait3A_469, %dma_wait3A_470] : memref<10000x128xf32, #tpu.memory_space<vmem_shared>> -> memref<16x128xf32, #tpu.memory_space<vmem_shared>>
    %dma_wait3A_472 = arith.constant 0 : i32
    %dma_wait3A_473 = arith.constant 0 : i32
    %dma_wait3A_474 = tpu.memref_slice %arg8[%dma_wait3A_472, %dma_wait3A_473] : memref<10000x128xf32, #tpu.memory_space<vmem_shared>> -> memref<16x128xf32, #tpu.memory_space<vmem_shared>>
    tpu.wait_dma2 semaphore(%arg11 : memref<!tpu.dma_semaphore, #tpu.memory_space<semaphore_mem>>) src(%arg7 : memref<16x128xf32, #tpu.memory_space<vmem>>) dst(%dma_wait3A_474 : memref<16x128xf32, #tpu.memory_space<vmem_shared>>)
    %dma_wait3A_475 = arith.constant 0 : i32
    %dma_wait3A_476 = arith.constant 0 : i32
    %dma_wait3A_477 = tpu.memref_slice %arg8[%dma_wait3A_475, %dma_wait3A_476] : memref<10000x128xf32, #tpu.memory_space<vmem_shared>> -> memref<16x128xf32, #tpu.memory_space<vmem_shared>>
    %dma_wait3A_478 = arith.constant 0 : i32
    %dma_wait3A_479 = arith.constant 0 : i32
    %dma_wait3A_480 = tpu.memref_slice %arg8[%dma_wait3A_478, %dma_wait3A_479] : memref<10000x128xf32, #tpu.memory_space<vmem_shared>> -> memref<16x128xf32, #tpu.memory_space<vmem_shared>>
    tpu.wait_dma2 semaphore(%arg11 : memref<!tpu.dma_semaphore, #tpu.memory_space<semaphore_mem>>) src(%arg7 : memref<16x128xf32, #tpu.memory_space<vmem>>) dst(%dma_wait3A_480 : memref<16x128xf32, #tpu.memory_space<vmem_shared>>)
    %dma_wait3A_481 = arith.constant 0 : i32
    %dma_wait3A_482 = arith.constant 0 : i32
    %dma_wait3A_483 = tpu.memref_slice %arg8[%dma_wait3A_481, %dma_wait3A_482] : memref<10000x128xf32, #tpu.memory_space<vmem_shared>> -> memref<16x128xf32, #tpu.memory_space<vmem_shared>>
    %dma_wait3A_484 = arith.constant 0 : i32
    %dma_wait3A_485 = arith.constant 0 : i32
    %dma_wait3A_486 = tpu.memref_slice %arg8[%dma_wait3A_484, %dma_wait3A_485] : memref<10000x128xf32, #tpu.memory_space<vmem_shared>> -> memref<16x128xf32, #tpu.memory_space<vmem_shared>>
    tpu.wait_dma2 semaphore(%arg11 : memref<!tpu.dma_semaphore, #tpu.memory_space<semaphore_mem>>) src(%arg7 : memref<16x128xf32, #tpu.memory_space<vmem>>) dst(%dma_wait3A_486 : memref<16x128xf32, #tpu.memory_space<vmem_shared>>)
    %dma_wait3A_487 = arith.constant 0 : i32
    %dma_wait3A_488 = arith.constant 0 : i32
    %dma_wait3A_489 = tpu.memref_slice %arg8[%dma_wait3A_487, %dma_wait3A_488] : memref<10000x128xf32, #tpu.memory_space<vmem_shared>> -> memref<16x128xf32, #tpu.memory_space<vmem_shared>>
    %dma_wait3A_490 = arith.constant 0 : i32
    %dma_wait3A_491 = arith.constant 0 : i32
    %dma_wait3A_492 = tpu.memref_slice %arg8[%dma_wait3A_490, %dma_wait3A_491] : memref<10000x128xf32, #tpu.memory_space<vmem_shared>> -> memref<16x128xf32, #tpu.memory_space<vmem_shared>>
    tpu.wait_dma2 semaphore(%arg11 : memref<!tpu.dma_semaphore, #tpu.memory_space<semaphore_mem>>) src(%arg7 : memref<16x128xf32, #tpu.memory_space<vmem>>) dst(%dma_wait3A_492 : memref<16x128xf32, #tpu.memory_space<vmem_shared>>)
    %dma_wait3A_493 = arith.constant 0 : i32
    %dma_wait3A_494 = arith.constant 0 : i32
    %dma_wait3A_495 = tpu.memref_slice %arg8[%dma_wait3A_493, %dma_wait3A_494] : memref<10000x128xf32, #tpu.memory_space<vmem_shared>> -> memref<16x128xf32, #tpu.memory_space<vmem_shared>>
    %dma_wait3A_496 = arith.constant 0 : i32
    %dma_wait3A_497 = arith.constant 0 : i32
    %dma_wait3A_498 = tpu.memref_slice %arg8[%dma_wait3A_496, %dma_wait3A_497] : memref<10000x128xf32, #tpu.memory_space<vmem_shared>> -> memref<16x128xf32, #tpu.memory_space<vmem_shared>>
    tpu.wait_dma2 semaphore(%arg11 : memref<!tpu.dma_semaphore, #tpu.memory_space<semaphore_mem>>) src(%arg7 : memref<16x128xf32, #tpu.memory_space<vmem>>) dst(%dma_wait3A_498 : memref<16x128xf32, #tpu.memory_space<vmem_shared>>)
    %dma_wait3A_499 = arith.constant 0 : i32
    %dma_wait3A_500 = arith.constant 0 : i32
    %dma_wait3A_501 = tpu.memref_slice %arg8[%dma_wait3A_499, %dma_wait3A_500] : memref<10000x128xf32, #tpu.memory_space<vmem_shared>> -> memref<16x128xf32, #tpu.memory_space<vmem_shared>>
    %dma_wait3A_502 = arith.constant 0 : i32
    %dma_wait3A_503 = arith.constant 0 : i32
    %dma_wait3A_504 = tpu.memref_slice %arg8[%dma_wait3A_502, %dma_wait3A_503] : memref<10000x128xf32, #tpu.memory_space<vmem_shared>> -> memref<16x128xf32, #tpu.memory_space<vmem_shared>>
    tpu.wait_dma2 semaphore(%arg11 : memref<!tpu.dma_semaphore, #tpu.memory_space<semaphore_mem>>) src(%arg7 : memref<16x128xf32, #tpu.memory_space<vmem>>) dst(%dma_wait3A_504 : memref<16x128xf32, #tpu.memory_space<vmem_shared>>)
    %dma_wait3A_505 = arith.constant 0 : i32
    %dma_wait3A_506 = arith.constant 0 : i32
    %dma_wait3A_507 = tpu.memref_slice %arg8[%dma_wait3A_505, %dma_wait3A_506] : memref<10000x128xf32, #tpu.memory_space<vmem_shared>> -> memref<16x128xf32, #tpu.memory_space<vmem_shared>>
    %dma_wait3A_508 = arith.constant 0 : i32
    %dma_wait3A_509 = arith.constant 0 : i32
    %dma_wait3A_510 = tpu.memref_slice %arg8[%dma_wait3A_508, %dma_wait3A_509] : memref<10000x128xf32, #tpu.memory_space<vmem_shared>> -> memref<16x128xf32, #tpu.memory_space<vmem_shared>>
    tpu.wait_dma2 semaphore(%arg11 : memref<!tpu.dma_semaphore, #tpu.memory_space<semaphore_mem>>) src(%arg7 : memref<16x128xf32, #tpu.memory_space<vmem>>) dst(%dma_wait3A_510 : memref<16x128xf32, #tpu.memory_space<vmem_shared>>)
    %dma_wait3A_511 = arith.constant 0 : i32
    %dma_wait3A_512 = arith.constant 0 : i32
    %dma_wait3A_513 = tpu.memref_slice %arg8[%dma_wait3A_511, %dma_wait3A_512] : memref<10000x128xf32, #tpu.memory_space<vmem_shared>> -> memref<16x128xf32, #tpu.memory_space<vmem_shared>>
    %dma_wait3A_514 = arith.constant 0 : i32
    %dma_wait3A_515 = arith.constant 0 : i32
    %dma_wait3A_516 = tpu.memref_slice %arg8[%dma_wait3A_514, %dma_wait3A_515] : memref<10000x128xf32, #tpu.memory_space<vmem_shared>> -> memref<16x128xf32, #tpu.memory_space<vmem_shared>>
    tpu.wait_dma2 semaphore(%arg11 : memref<!tpu.dma_semaphore, #tpu.memory_space<semaphore_mem>>) src(%arg7 : memref<16x128xf32, #tpu.memory_space<vmem>>) dst(%dma_wait3A_516 : memref<16x128xf32, #tpu.memory_space<vmem_shared>>)
    %dma_wait3A_517 = arith.constant 0 : i32
    %dma_wait3A_518 = arith.constant 0 : i32
    %dma_wait3A_519 = tpu.memref_slice %arg8[%dma_wait3A_517, %dma_wait3A_518] : memref<10000x128xf32, #tpu.memory_space<vmem_shared>> -> memref<16x128xf32, #tpu.memory_space<vmem_shared>>
    %dma_wait3A_520 = arith.constant 0 : i32
    %dma_wait3A_521 = arith.constant 0 : i32
    %dma_wait3A_522 = tpu.memref_slice %arg8[%dma_wait3A_520, %dma_wait3A_521] : memref<10000x128xf32, #tpu.memory_space<vmem_shared>> -> memref<16x128xf32, #tpu.memory_space<vmem_shared>>
    tpu.wait_dma2 semaphore(%arg11 : memref<!tpu.dma_semaphore, #tpu.memory_space<semaphore_mem>>) src(%arg7 : memref<16x128xf32, #tpu.memory_space<vmem>>) dst(%dma_wait3A_522 : memref<16x128xf32, #tpu.memory_space<vmem_shared>>)
    %dma_wait3A_523 = arith.constant 0 : i32
    %dma_wait3A_524 = arith.constant 0 : i32
    %dma_wait3A_525 = tpu.memref_slice %arg8[%dma_wait3A_523, %dma_wait3A_524] : memref<10000x128xf32, #tpu.memory_space<vmem_shared>> -> memref<16x128xf32, #tpu.memory_space<vmem_shared>>
    %dma_wait3A_526 = arith.constant 0 : i32
    %dma_wait3A_527 = arith.constant 0 : i32
    %dma_wait3A_528 = tpu.memref_slice %arg8[%dma_wait3A_526, %dma_wait3A_527] : memref<10000x128xf32, #tpu.memory_space<vmem_shared>> -> memref<16x128xf32, #tpu.memory_space<vmem_shared>>
    tpu.wait_dma2 semaphore(%arg11 : memref<!tpu.dma_semaphore, #tpu.memory_space<semaphore_mem>>) src(%arg7 : memref<16x128xf32, #tpu.memory_space<vmem>>) dst(%dma_wait3A_528 : memref<16x128xf32, #tpu.memory_space<vmem_shared>>)
    %dma_wait3A_529 = arith.constant 0 : i32
    %dma_wait3A_530 = arith.constant 0 : i32
    %dma_wait3A_531 = tpu.memref_slice %arg8[%dma_wait3A_529, %dma_wait3A_530] : memref<10000x128xf32, #tpu.memory_space<vmem_shared>> -> memref<16x128xf32, #tpu.memory_space<vmem_shared>>
    %dma_wait3A_532 = arith.constant 0 : i32
    %dma_wait3A_533 = arith.constant 0 : i32
    %dma_wait3A_534 = tpu.memref_slice %arg8[%dma_wait3A_532, %dma_wait3A_533] : memref<10000x128xf32, #tpu.memory_space<vmem_shared>> -> memref<16x128xf32, #tpu.memory_space<vmem_shared>>
    tpu.wait_dma2 semaphore(%arg11 : memref<!tpu.dma_semaphore, #tpu.memory_space<semaphore_mem>>) src(%arg7 : memref<16x128xf32, #tpu.memory_space<vmem>>) dst(%dma_wait3A_534 : memref<16x128xf32, #tpu.memory_space<vmem_shared>>)
    %dma_wait3A_535 = arith.constant 0 : i32
    %dma_wait3A_536 = arith.constant 0 : i32
    %dma_wait3A_537 = tpu.memref_slice %arg8[%dma_wait3A_535, %dma_wait3A_536] : memref<10000x128xf32, #tpu.memory_space<vmem_shared>> -> memref<16x128xf32, #tpu.memory_space<vmem_shared>>
    %dma_wait3A_538 = arith.constant 0 : i32
    %dma_wait3A_539 = arith.constant 0 : i32
    %dma_wait3A_540 = tpu.memref_slice %arg8[%dma_wait3A_538, %dma_wait3A_539] : memref<10000x128xf32, #tpu.memory_space<vmem_shared>> -> memref<16x128xf32, #tpu.memory_space<vmem_shared>>
    tpu.wait_dma2 semaphore(%arg11 : memref<!tpu.dma_semaphore, #tpu.memory_space<semaphore_mem>>) src(%arg7 : memref<16x128xf32, #tpu.memory_space<vmem>>) dst(%dma_wait3A_540 : memref<16x128xf32, #tpu.memory_space<vmem_shared>>)
    %dma_wait3A_541 = arith.constant 0 : i32
    %dma_wait3A_542 = arith.constant 0 : i32
    %dma_wait3A_543 = tpu.memref_slice %arg8[%dma_wait3A_541, %dma_wait3A_542] : memref<10000x128xf32, #tpu.memory_space<vmem_shared>> -> memref<16x128xf32, #tpu.memory_space<vmem_shared>>
    %dma_wait3A_544 = arith.constant 0 : i32
    %dma_wait3A_545 = arith.constant 0 : i32
    %dma_wait3A_546 = tpu.memref_slice %arg8[%dma_wait3A_544, %dma_wait3A_545] : memref<10000x128xf32, #tpu.memory_space<vmem_shared>> -> memref<16x128xf32, #tpu.memory_space<vmem_shared>>
    tpu.wait_dma2 semaphore(%arg11 : memref<!tpu.dma_semaphore, #tpu.memory_space<semaphore_mem>>) src(%arg7 : memref<16x128xf32, #tpu.memory_space<vmem>>) dst(%dma_wait3A_546 : memref<16x128xf32, #tpu.memory_space<vmem_shared>>)
    %dma_wait3A_547 = arith.constant 0 : i32
    %dma_wait3A_548 = arith.constant 0 : i32
    %dma_wait3A_549 = tpu.memref_slice %arg8[%dma_wait3A_547, %dma_wait3A_548] : memref<10000x128xf32, #tpu.memory_space<vmem_shared>> -> memref<16x128xf32, #tpu.memory_space<vmem_shared>>
    %dma_wait3A_550 = arith.constant 0 : i32
    %dma_wait3A_551 = arith.constant 0 : i32
    %dma_wait3A_552 = tpu.memref_slice %arg8[%dma_wait3A_550, %dma_wait3A_551] : memref<10000x128xf32, #tpu.memory_space<vmem_shared>> -> memref<16x128xf32, #tpu.memory_space<vmem_shared>>
    tpu.wait_dma2 semaphore(%arg11 : memref<!tpu.dma_semaphore, #tpu.memory_space<semaphore_mem>>) src(%arg7 : memref<16x128xf32, #tpu.memory_space<vmem>>) dst(%dma_wait3A_552 : memref<16x128xf32, #tpu.memory_space<vmem_shared>>)
    %dma_wait3A_553 = arith.constant 0 : i32
    %dma_wait3A_554 = arith.constant 0 : i32
    %dma_wait3A_555 = tpu.memref_slice %arg8[%dma_wait3A_553, %dma_wait3A_554] : memref<10000x128xf32, #tpu.memory_space<vmem_shared>> -> memref<16x128xf32, #tpu.memory_space<vmem_shared>>
    %dma_wait3A_556 = arith.constant 0 : i32
    %dma_wait3A_557 = arith.constant 0 : i32
    %dma_wait3A_558 = tpu.memref_slice %arg8[%dma_wait3A_556, %dma_wait3A_557] : memref<10000x128xf32, #tpu.memory_space<vmem_shared>> -> memref<16x128xf32, #tpu.memory_space<vmem_shared>>
    tpu.wait_dma2 semaphore(%arg11 : memref<!tpu.dma_semaphore, #tpu.memory_space<semaphore_mem>>) src(%arg7 : memref<16x128xf32, #tpu.memory_space<vmem>>) dst(%dma_wait3A_558 : memref<16x128xf32, #tpu.memory_space<vmem_shared>>)
    %dma_wait3A_559 = arith.constant 0 : i32
    %dma_wait3A_560 = arith.constant 0 : i32
    %dma_wait3A_561 = tpu.memref_slice %arg8[%dma_wait3A_559, %dma_wait3A_560] : memref<10000x128xf32, #tpu.memory_space<vmem_shared>> -> memref<16x128xf32, #tpu.memory_space<vmem_shared>>
    %dma_wait3A_562 = arith.constant 0 : i32
    %dma_wait3A_563 = arith.constant 0 : i32
    %dma_wait3A_564 = tpu.memref_slice %arg8[%dma_wait3A_562, %dma_wait3A_563] : memref<10000x128xf32, #tpu.memory_space<vmem_shared>> -> memref<16x128xf32, #tpu.memory_space<vmem_shared>>
    tpu.wait_dma2 semaphore(%arg11 : memref<!tpu.dma_semaphore, #tpu.memory_space<semaphore_mem>>) src(%arg7 : memref<16x128xf32, #tpu.memory_space<vmem>>) dst(%dma_wait3A_564 : memref<16x128xf32, #tpu.memory_space<vmem_shared>>)
    %dma_wait3A_565 = arith.constant 0 : i32
    %dma_wait3A_566 = arith.constant 0 : i32
    %dma_wait3A_567 = tpu.memref_slice %arg8[%dma_wait3A_565, %dma_wait3A_566] : memref<10000x128xf32, #tpu.memory_space<vmem_shared>> -> memref<16x128xf32, #tpu.memory_space<vmem_shared>>
    %dma_wait3A_568 = arith.constant 0 : i32
    %dma_wait3A_569 = arith.constant 0 : i32
    %dma_wait3A_570 = tpu.memref_slice %arg8[%dma_wait3A_568, %dma_wait3A_569] : memref<10000x128xf32, #tpu.memory_space<vmem_shared>> -> memref<16x128xf32, #tpu.memory_space<vmem_shared>>
    tpu.wait_dma2 semaphore(%arg11 : memref<!tpu.dma_semaphore, #tpu.memory_space<semaphore_mem>>) src(%arg7 : memref<16x128xf32, #tpu.memory_space<vmem>>) dst(%dma_wait3A_570 : memref<16x128xf32, #tpu.memory_space<vmem_shared>>)
    %dma_wait3A_571 = arith.constant 0 : i32
    %dma_wait3A_572 = arith.constant 0 : i32
    %dma_wait3A_573 = tpu.memref_slice %arg8[%dma_wait3A_571, %dma_wait3A_572] : memref<10000x128xf32, #tpu.memory_space<vmem_shared>> -> memref<16x128xf32, #tpu.memory_space<vmem_shared>>
    %dma_wait3A_574 = arith.constant 0 : i32
    %dma_wait3A_575 = arith.constant 0 : i32
    %dma_wait3A_576 = tpu.memref_slice %arg8[%dma_wait3A_574, %dma_wait3A_575] : memref<10000x128xf32, #tpu.memory_space<vmem_shared>> -> memref<16x128xf32, #tpu.memory_space<vmem_shared>>
    tpu.wait_dma2 semaphore(%arg11 : memref<!tpu.dma_semaphore, #tpu.memory_space<semaphore_mem>>) src(%arg7 : memref<16x128xf32, #tpu.memory_space<vmem>>) dst(%dma_wait3A_576 : memref<16x128xf32, #tpu.memory_space<vmem_shared>>)
    %dma_wait3A_577 = arith.constant 0 : i32
    %dma_wait3A_578 = arith.constant 0 : i32
    %dma_wait3A_579 = tpu.memref_slice %arg8[%dma_wait3A_577, %dma_wait3A_578] : memref<10000x128xf32, #tpu.memory_space<vmem_shared>> -> memref<16x128xf32, #tpu.memory_space<vmem_shared>>
    %dma_wait3A_580 = arith.constant 0 : i32
    %dma_wait3A_581 = arith.constant 0 : i32
    %dma_wait3A_582 = tpu.memref_slice %arg8[%dma_wait3A_580, %dma_wait3A_581] : memref<10000x128xf32, #tpu.memory_space<vmem_shared>> -> memref<16x128xf32, #tpu.memory_space<vmem_shared>>
    tpu.wait_dma2 semaphore(%arg11 : memref<!tpu.dma_semaphore, #tpu.memory_space<semaphore_mem>>) src(%arg7 : memref<16x128xf32, #tpu.memory_space<vmem>>) dst(%dma_wait3A_582 : memref<16x128xf32, #tpu.memory_space<vmem_shared>>)
    %dma_wait3A_583 = arith.constant 0 : i32
    %dma_wait3A_584 = arith.constant 0 : i32
    %dma_wait3A_585 = tpu.memref_slice %arg8[%dma_wait3A_583, %dma_wait3A_584] : memref<10000x128xf32, #tpu.memory_space<vmem_shared>> -> memref<16x128xf32, #tpu.memory_space<vmem_shared>>
    %dma_wait3A_586 = arith.constant 0 : i32
    %dma_wait3A_587 = arith.constant 0 : i32
    %dma_wait3A_588 = tpu.memref_slice %arg8[%dma_wait3A_586, %dma_wait3A_587] : memref<10000x128xf32, #tpu.memory_space<vmem_shared>> -> memref<16x128xf32, #tpu.memory_space<vmem_shared>>
    tpu.wait_dma2 semaphore(%arg11 : memref<!tpu.dma_semaphore, #tpu.memory_space<semaphore_mem>>) src(%arg7 : memref<16x128xf32, #tpu.memory_space<vmem>>) dst(%dma_wait3A_588 : memref<16x128xf32, #tpu.memory_space<vmem_shared>>)
    %dma_wait3A_589 = arith.constant 0 : i32
    %dma_wait3A_590 = arith.constant 0 : i32
    %dma_wait3A_591 = tpu.memref_slice %arg8[%dma_wait3A_589, %dma_wait3A_590] : memref<10000x128xf32, #tpu.memory_space<vmem_shared>> -> memref<16x128xf32, #tpu.memory_space<vmem_shared>>
    %dma_wait3A_592 = arith.constant 0 : i32
    %dma_wait3A_593 = arith.constant 0 : i32
    %dma_wait3A_594 = tpu.memref_slice %arg8[%dma_wait3A_592, %dma_wait3A_593] : memref<10000x128xf32, #tpu.memory_space<vmem_shared>> -> memref<16x128xf32, #tpu.memory_space<vmem_shared>>
    tpu.wait_dma2 semaphore(%arg11 : memref<!tpu.dma_semaphore, #tpu.memory_space<semaphore_mem>>) src(%arg7 : memref<16x128xf32, #tpu.memory_space<vmem>>) dst(%dma_wait3A_594 : memref<16x128xf32, #tpu.memory_space<vmem_shared>>)
    %dma_wait3A_595 = arith.constant 0 : i32
    %dma_wait3A_596 = arith.constant 0 : i32
    %dma_wait3A_597 = tpu.memref_slice %arg8[%dma_wait3A_595, %dma_wait3A_596] : memref<10000x128xf32, #tpu.memory_space<vmem_shared>> -> memref<16x128xf32, #tpu.memory_space<vmem_shared>>
    %dma_wait3A_598 = arith.constant 0 : i32
    %dma_wait3A_599 = arith.constant 0 : i32
    %dma_wait3A_600 = tpu.memref_slice %arg8[%dma_wait3A_598, %dma_wait3A_599] : memref<10000x128xf32, #tpu.memory_space<vmem_shared>> -> memref<16x128xf32, #tpu.memory_space<vmem_shared>>
    tpu.wait_dma2 semaphore(%arg11 : memref<!tpu.dma_semaphore, #tpu.memory_space<semaphore_mem>>) src(%arg7 : memref<16x128xf32, #tpu.memory_space<vmem>>) dst(%dma_wait3A_600 : memref<16x128xf32, #tpu.memory_space<vmem_shared>>)
    %dma_wait3A_601 = arith.constant 0 : i32
    %dma_wait3A_602 = arith.constant 0 : i32
    %dma_wait3A_603 = tpu.memref_slice %arg8[%dma_wait3A_601, %dma_wait3A_602] : memref<10000x128xf32, #tpu.memory_space<vmem_shared>> -> memref<16x128xf32, #tpu.memory_space<vmem_shared>>
    %dma_wait3A_604 = arith.constant 0 : i32
    %dma_wait3A_605 = arith.constant 0 : i32
    %dma_wait3A_606 = tpu.memref_slice %arg8[%dma_wait3A_604, %dma_wait3A_605] : memref<10000x128xf32, #tpu.memory_space<vmem_shared>> -> memref<16x128xf32, #tpu.memory_space<vmem_shared>>
    tpu.wait_dma2 semaphore(%arg11 : memref<!tpu.dma_semaphore, #tpu.memory_space<semaphore_mem>>) src(%arg7 : memref<16x128xf32, #tpu.memory_space<vmem>>) dst(%dma_wait3A_606 : memref<16x128xf32, #tpu.memory_space<vmem_shared>>)
    %dma_wait3A_607 = arith.constant 0 : i32
    %dma_wait3A_608 = arith.constant 0 : i32
    %dma_wait3A_609 = tpu.memref_slice %arg8[%dma_wait3A_607, %dma_wait3A_608] : memref<10000x128xf32, #tpu.memory_space<vmem_shared>> -> memref<16x128xf32, #tpu.memory_space<vmem_shared>>
    %dma_wait3A_610 = arith.constant 0 : i32
    %dma_wait3A_611 = arith.constant 0 : i32
    %dma_wait3A_612 = tpu.memref_slice %arg8[%dma_wait3A_610, %dma_wait3A_611] : memref<10000x128xf32, #tpu.memory_space<vmem_shared>> -> memref<16x128xf32, #tpu.memory_space<vmem_shared>>
    tpu.wait_dma2 semaphore(%arg11 : memref<!tpu.dma_semaphore, #tpu.memory_space<semaphore_mem>>) src(%arg7 : memref<16x128xf32, #tpu.memory_space<vmem>>) dst(%dma_wait3A_612 : memref<16x128xf32, #tpu.memory_space<vmem_shared>>)
    %eq3A_613 = arith.constant 15 : i32
    %eq3A_614 = arith.cmpi eq, %arg1, %eq3A_613 : i32
    %convert_element_type3A_615 = arith.extui %eq3A_614 : i1 to i32
    %cond3A_616 = arith.constant 0 : i32
    %cond3A_617 = arith.cmpi ne, %convert_element_type3A_615, %cond3A_616 : i32
    scf.if %cond3A_617 {
      %dma_wait3A_669 = arith.constant 0 : i32
      %dma_wait3A_670 = arith.constant 0 : i32
      %dma_wait3A_671 = tpu.memref_slice %arg7[%dma_wait3A_669, %dma_wait3A_670] : memref<16x128xf32, #tpu.memory_space<vmem>> -> memref<16x128xf32, #tpu.memory_space<vmem>>
      %dma_wait3A_672 = arith.constant 0 : i32
      %dma_wait3A_673 = arith.constant 0 : i32
      %dma_wait3A_674 = tpu.memref_slice %arg8[%dma_wait3A_672, %dma_wait3A_673] : memref<10000x128xf32, #tpu.memory_space<vmem_shared>> -> memref<16x128xf32, #tpu.memory_space<vmem_shared>>
      %dma_wait3A_675 = arith.constant 0 : i32
      %dma_wait3A_676 = arith.constant 0 : i32
      %dma_wait3A_677 = tpu.memref_slice %arg8[%dma_wait3A_675, %dma_wait3A_676] : memref<10000x128xf32, #tpu.memory_space<vmem_shared>> -> memref<16x128xf32, #tpu.memory_space<vmem_shared>>
      %dma_wait3A_678 = arith.constant 0 : i32
      %dma_wait3A_679 = arith.constant 0 : i32
      %dma_wait3A_680 = tpu.memref_slice %arg7[%dma_wait3A_678, %dma_wait3A_679] : memref<16x128xf32, #tpu.memory_space<vmem>> -> memref<16x128xf32, #tpu.memory_space<vmem>>
      tpu.wait_dma2 semaphore(%arg11 : memref<!tpu.dma_semaphore, #tpu.memory_space<semaphore_mem>>) src(%dma_wait3A_680 : memref<16x128xf32, #tpu.memory_space<vmem>>) dst(%dma_wait3A_677 : memref<16x128xf32, #tpu.memory_space<vmem_shared>>)
    } else {
    }
    %barrier3A = arith.constant 0 : index
    tpu.barrier barrier_id(%barrier3A)
    %scan3A_618 = arith.constant 0 : i32
    %scan3A_619 = arith.constant 31 : i32
    %scan3A_620 = arith.addi %scan3A_618, %scan3A_619 : i32
    %scan3A_621 = arith.constant 1 : i32
    scf.for %scan3A_669 = %scan3A_618 to %scan3A_620 step %scan3A_621  : i32 {
      %mul3A_670 = arith.constant 1 : i32
      %mul3A_671 = arith.muli %scan3A_669, %mul3A_670 : i32
      %add3A_672 = arith.constant 0 : i32
      %add3A_673 = arith.addi %add3A_672, %mul3A_671 : i32
      %mul3A_674 = arith.constant 4 : i32
      %mul3A_675 = arith.muli %add3A_673, %mul3A_674 : i32
      %add3A_676 = arith.constant 0 : i32
      %add3A_677 = arith.addi %mul3A_675, %add3A_676 : i32
      %gt3A = arith.constant 0 : i32
      %gt3A_678 = arith.cmpi sgt, %add3A_673, %gt3A : i32
      %convert_element_type3A_679 = arith.extui %gt3A_678 : i1 to i32
      %cond3A_680 = arith.constant 0 : i32
      %cond3A_681 = arith.cmpi ne, %convert_element_type3A_679, %cond3A_680 : i32
      scf.if %cond3A_681 {
      } else {
      }
      %add3A_682 = arith.constant 2 : i32
      %add3A_683 = arith.addi %add3A_677, %add3A_682 : i32
      %lt3A = arith.constant 125 : i32
      %lt3A_684 = arith.cmpi slt, %add3A_683, %lt3A : i32
      %convert_element_type3A_685 = arith.extui %lt3A_684 : i1 to i32
      %cond3A_686 = arith.constant 0 : i32
      %cond3A_687 = arith.cmpi ne, %convert_element_type3A_685, %cond3A_686 : i32
      scf.if %cond3A_687 {
        %add3A_862 = arith.constant 2 : i32
        %add3A_863 = arith.addi %add3A_677, %add3A_862 : i32
        %mul3A_864 = arith.constant 80 : i32
        %mul3A_865 = arith.muli %add3A_863, %mul3A_864 : i32
        %add3A_866 = arith.addi %mul3A_2, %mul3A_865 : i32
        %dma_start3A_867 = arith.constant 2 : i32
        %dma_start3A_868 = arith.constant 2 : i32
        %dma_start3A_869 = arith.constant 0 : i32
        %dma_start3A_870 = tpu.memref_slice %arg6[%dma_start3A_867, %dma_start3A_869] : memref<4x80xi32, #tpu.memory_space<vmem>> -> memref<1x80xi32, #tpu.memory_space<vmem>>
        %dma_start3A_871 = tpu.memref_squeeze %dma_start3A_870 : memref<1x80xi32, #tpu.memory_space<vmem>> -> memref<80xi32, #tpu.memory_space<vmem>>
        %dma_start3A_872 = tpu.memref_slice %arg3[%add3A_866] : memref<320000xi32, #tpu.memory_space<hbm>> -> memref<80xi32, #tpu.memory_space<hbm>>
        %dma_start3A_873 = tpu.memref_slice %arg9[%dma_start3A_868] : memref<4x!tpu.dma_semaphore, #tpu.memory_space<semaphore_mem>> -> memref<1x!tpu.dma_semaphore, #tpu.memory_space<semaphore_mem>>
        %dma_start3A_874 = tpu.memref_squeeze %dma_start3A_873 : memref<1x!tpu.dma_semaphore, #tpu.memory_space<semaphore_mem>> -> memref<!tpu.dma_semaphore, #tpu.memory_space<semaphore_mem>>
        %dma_start3A_875 = arith.constant 0 : i32
        %dma_start3A_876 = tpu.memref_slice %arg6[%dma_start3A_867, %dma_start3A_875] : memref<4x80xi32, #tpu.memory_space<vmem>> -> memref<1x80xi32, #tpu.memory_space<vmem>>
        %dma_start3A_877 = tpu.memref_squeeze %dma_start3A_876 : memref<1x80xi32, #tpu.memory_space<vmem>> -> memref<80xi32, #tpu.memory_space<vmem>>
        %dma_start3A_878 = tpu.memref_slice %arg3[%add3A_866] : memref<320000xi32, #tpu.memory_space<hbm>> -> memref<80xi32, #tpu.memory_space<hbm>>
        tpu.enqueue_dma source(%dma_start3A_878 : memref<80xi32, #tpu.memory_space<hbm>>) target(%dma_start3A_877 : memref<80xi32, #tpu.memory_space<vmem>>) target_semaphore(%dma_start3A_874 : memref<!tpu.dma_semaphore, #tpu.memory_space<semaphore_mem>>)
        %dma_start3A_879 = arith.constant 2 : i32
        %dma_start3A_880 = arith.constant 2 : i32
        %dma_start3A_881 = arith.constant 0 : i32
        %dma_start3A_882 = arith.constant 0 : i32
        %dma_start3A_883 = tpu.memref_slice %arg5[%dma_start3A_879, %dma_start3A_881, %dma_start3A_882] : memref<4x80x128xf32, #tpu.memory_space<vmem>> -> memref<1x80x128xf32, #tpu.memory_space<vmem>>
        %dma_start3A_884 = tpu.memref_squeeze %dma_start3A_883 : memref<1x80x128xf32, #tpu.memory_space<vmem>> -> memref<80x128xf32, #tpu.memory_space<vmem>>
        %dma_start3A_885 = arith.constant 0 : i32
        %dma_start3A_886 = tpu.memref_slice %arg2[%add3A_866, %dma_start3A_885] : memref<320000x128xf32, #tpu.memory_space<hbm>> -> memref<80x128xf32, #tpu.memory_space<hbm>>
        %dma_start3A_887 = tpu.memref_slice %arg9[%dma_start3A_880] : memref<4x!tpu.dma_semaphore, #tpu.memory_space<semaphore_mem>> -> memref<1x!tpu.dma_semaphore, #tpu.memory_space<semaphore_mem>>
        %dma_start3A_888 = tpu.memref_squeeze %dma_start3A_887 : memref<1x!tpu.dma_semaphore, #tpu.memory_space<semaphore_mem>> -> memref<!tpu.dma_semaphore, #tpu.memory_space<semaphore_mem>>
        %dma_start3A_889 = arith.constant 0 : i32
        %dma_start3A_890 = arith.constant 0 : i32
        %dma_start3A_891 = tpu.memref_slice %arg5[%dma_start3A_879, %dma_start3A_889, %dma_start3A_890] : memref<4x80x128xf32, #tpu.memory_space<vmem>> -> memref<1x80x128xf32, #tpu.memory_space<vmem>>
        %dma_start3A_892 = tpu.memref_squeeze %dma_start3A_891 : memref<1x80x128xf32, #tpu.memory_space<vmem>> -> memref<80x128xf32, #tpu.memory_space<vmem>>
        %dma_start3A_893 = arith.constant 0 : i32
        %dma_start3A_894 = tpu.memref_slice %arg2[%add3A_866, %dma_start3A_893] : memref<320000x128xf32, #tpu.memory_space<hbm>> -> memref<80x128xf32, #tpu.memory_space<hbm>>
        tpu.enqueue_dma source(%dma_start3A_894 : memref<80x128xf32, #tpu.memory_space<hbm>>) target(%dma_start3A_892 : memref<80x128xf32, #tpu.memory_space<vmem>>) target_semaphore(%dma_start3A_888 : memref<!tpu.dma_semaphore, #tpu.memory_space<semaphore_mem>>)
      } else {
      }
      %dma_wait3A_688 = arith.constant 0 : i32
      %dma_wait3A_689 = arith.constant 0 : i32
      %dma_wait3A_690 = arith.constant 0 : i32
      %dma_wait3A_691 = tpu.memref_slice %arg6[%dma_wait3A_688, %dma_wait3A_690] : memref<4x80xi32, #tpu.memory_space<vmem>> -> memref<1x80xi32, #tpu.memory_space<vmem>>
      %dma_wait3A_692 = tpu.memref_squeeze %dma_wait3A_691 : memref<1x80xi32, #tpu.memory_space<vmem>> -> memref<80xi32, #tpu.memory_space<vmem>>
      %dma_wait3A_693 = arith.constant 0 : i32
      %dma_wait3A_694 = tpu.memref_slice %arg3[%dma_wait3A_693] : memref<320000xi32, #tpu.memory_space<hbm>> -> memref<80xi32, #tpu.memory_space<hbm>>
      %dma_wait3A_695 = tpu.memref_slice %arg9[%dma_wait3A_689] : memref<4x!tpu.dma_semaphore, #tpu.memory_space<semaphore_mem>> -> memref<1x!tpu.dma_semaphore, #tpu.memory_space<semaphore_mem>>
      %dma_wait3A_696 = tpu.memref_squeeze %dma_wait3A_695 : memref<1x!tpu.dma_semaphore, #tpu.memory_space<semaphore_mem>> -> memref<!tpu.dma_semaphore, #tpu.memory_space<semaphore_mem>>
      %dma_wait3A_697 = arith.constant 0 : i32
      %dma_wait3A_698 = tpu.memref_slice %arg6[%dma_wait3A_688, %dma_wait3A_697] : memref<4x80xi32, #tpu.memory_space<vmem>> -> memref<1x80xi32, #tpu.memory_space<vmem>>
      %dma_wait3A_699 = tpu.memref_squeeze %dma_wait3A_698 : memref<1x80xi32, #tpu.memory_space<vmem>> -> memref<80xi32, #tpu.memory_space<vmem>>
      %dma_wait3A_700 = arith.constant 0 : i32
      %dma_wait3A_701 = tpu.memref_slice %arg3[%dma_wait3A_700] : memref<320000xi32, #tpu.memory_space<hbm>> -> memref<80xi32, #tpu.memory_space<hbm>>
      tpu.wait_dma2 semaphore(%dma_wait3A_696 : memref<!tpu.dma_semaphore, #tpu.memory_space<semaphore_mem>>) src(%dma_wait3A_701 : memref<80xi32, #tpu.memory_space<hbm>>) dst(%dma_wait3A_699 : memref<80xi32, #tpu.memory_space<vmem>>)
      %dma_wait3A_702 = arith.constant 0 : i32
      %dma_wait3A_703 = arith.constant 0 : i32
      %dma_wait3A_704 = arith.constant 0 : i32
      %dma_wait3A_705 = arith.constant 0 : i32
      %dma_wait3A_706 = tpu.memref_slice %arg5[%dma_wait3A_702, %dma_wait3A_704, %dma_wait3A_705] : memref<4x80x128xf32, #tpu.memory_space<vmem>> -> memref<1x80x128xf32, #tpu.memory_space<vmem>>
      %dma_wait3A_707 = tpu.memref_squeeze %dma_wait3A_706 : memref<1x80x128xf32, #tpu.memory_space<vmem>> -> memref<80x128xf32, #tpu.memory_space<vmem>>
      %dma_wait3A_708 = arith.constant 0 : i32
      %dma_wait3A_709 = arith.constant 0 : i32
      %dma_wait3A_710 = tpu.memref_slice %arg2[%dma_wait3A_708, %dma_wait3A_709] : memref<320000x128xf32, #tpu.memory_space<hbm>> -> memref<80x128xf32, #tpu.memory_space<hbm>>
      %dma_wait3A_711 = tpu.memref_slice %arg9[%dma_wait3A_703] : memref<4x!tpu.dma_semaphore, #tpu.memory_space<semaphore_mem>> -> memref<1x!tpu.dma_semaphore, #tpu.memory_space<semaphore_mem>>
      %dma_wait3A_712 = tpu.memref_squeeze %dma_wait3A_711 : memref<1x!tpu.dma_semaphore, #tpu.memory_space<semaphore_mem>> -> memref<!tpu.dma_semaphore, #tpu.memory_space<semaphore_mem>>
      %dma_wait3A_713 = arith.constant 0 : i32
      %dma_wait3A_714 = arith.constant 0 : i32
      %dma_wait3A_715 = tpu.memref_slice %arg5[%dma_wait3A_702, %dma_wait3A_713, %dma_wait3A_714] : memref<4x80x128xf32, #tpu.memory_space<vmem>> -> memref<1x80x128xf32, #tpu.memory_space<vmem>>
      %dma_wait3A_716 = tpu.memref_squeeze %dma_wait3A_715 : memref<1x80x128xf32, #tpu.memory_space<vmem>> -> memref<80x128xf32, #tpu.memory_space<vmem>>
      %dma_wait3A_717 = arith.constant 0 : i32
      %dma_wait3A_718 = arith.constant 0 : i32
      %dma_wait3A_719 = tpu.memref_slice %arg2[%dma_wait3A_717, %dma_wait3A_718] : memref<320000x128xf32, #tpu.memory_space<hbm>> -> memref<80x128xf32, #tpu.memory_space<hbm>>
      tpu.wait_dma2 semaphore(%dma_wait3A_712 : memref<!tpu.dma_semaphore, #tpu.memory_space<semaphore_mem>>) src(%dma_wait3A_719 : memref<80x128xf32, #tpu.memory_space<hbm>>) dst(%dma_wait3A_716 : memref<80x128xf32, #tpu.memory_space<vmem>>)
      %run_scoped3A_720 = arith.constant 0 : i32
      %run_scoped3A_721 = arith.constant 0 : i32
      "tpu.region"() ({
        %run_scoped3A_862 = tpu.sem_alloc : memref<!tpu.dma_semaphore, #tpu.memory_space<semaphore_mem>>
        %dma_start3A_863 = arith.constant 0 : i32
        %dma_start3A_864 = arith.constant 0 : i32
        %dma_start3A_865 = tpu.memref_slice %arg5[%run_scoped3A_720, %dma_start3A_863, %dma_start3A_864] : memref<4x80x128xf32, #tpu.memory_space<vmem>> -> memref<1x80x128xf32, #tpu.memory_space<vmem>>
        %dma_start3A_866 = tpu.memref_squeeze %dma_start3A_865 : memref<1x80x128xf32, #tpu.memory_space<vmem>> -> memref<80x128xf32, #tpu.memory_space<vmem>>
        %dma_start3A_867 = arith.constant 0 : i32
        %dma_start3A_868 = tpu.memref_slice %arg6[%run_scoped3A_721, %dma_start3A_867] : memref<4x80xi32, #tpu.memory_space<vmem>> -> memref<1x80xi32, #tpu.memory_space<vmem>>
        %dma_start3A_869 = tpu.memref_squeeze %dma_start3A_868 : memref<1x80xi32, #tpu.memory_space<vmem>> -> memref<80xi32, #tpu.memory_space<vmem>>
        %dma_start3A_870 = arith.constant 0 : i32
        %dma_start3A_871 = arith.constant 0 : i32
        %dma_start3A_872 = tpu.memref_slice %arg8[%dma_start3A_870, %dma_start3A_871] : memref<10000x128xf32, #tpu.memory_space<vmem_shared>> -> memref<10000x128xf32, #tpu.memory_space<vmem_shared>>
        tpu.enqueue_indirect_dma source(%dma_start3A_866 : memref<80x128xf32, #tpu.memory_space<vmem>>) target(%dma_start3A_872 : memref<10000x128xf32, #tpu.memory_space<vmem_shared>>) offsets(%dma_start3A_869 : memref<80xi32, #tpu.memory_space<vmem>>) semaphore(%run_scoped3A_862 : memref<!tpu.dma_semaphore, #tpu.memory_space<semaphore_mem>>) {add = true}
        %dma_wait3A_873 = arith.constant 0 : i32
        %dma_wait3A_874 = arith.constant 0 : i32
        %dma_wait3A_875 = tpu.memref_slice %arg5[%run_scoped3A_720, %dma_wait3A_873, %dma_wait3A_874] : memref<4x80x128xf32, #tpu.memory_space<vmem>> -> memref<1x80x128xf32, #tpu.memory_space<vmem>>
        %dma_wait3A_876 = tpu.memref_squeeze %dma_wait3A_875 : memref<1x80x128xf32, #tpu.memory_space<vmem>> -> memref<80x128xf32, #tpu.memory_space<vmem>>
        %dma_wait3A_877 = arith.constant 0 : i32
        %dma_wait3A_878 = tpu.memref_slice %arg6[%run_scoped3A_721, %dma_wait3A_877] : memref<4x80xi32, #tpu.memory_space<vmem>> -> memref<1x80xi32, #tpu.memory_space<vmem>>
        %dma_wait3A_879 = tpu.memref_squeeze %dma_wait3A_878 : memref<1x80xi32, #tpu.memory_space<vmem>> -> memref<80xi32, #tpu.memory_space<vmem>>
        %dma_wait3A_880 = arith.constant 0 : i32
        %dma_wait3A_881 = arith.constant 0 : i32
        %dma_wait3A_882 = tpu.memref_slice %arg8[%dma_wait3A_880, %dma_wait3A_881] : memref<10000x128xf32, #tpu.memory_space<vmem_shared>> -> memref<10000x128xf32, #tpu.memory_space<vmem_shared>>
        tpu.wait_indirect_dma semaphore(%run_scoped3A_862 : memref<!tpu.dma_semaphore, #tpu.memory_space<semaphore_mem>>) src(%dma_wait3A_876 : memref<80x128xf32, #tpu.memory_space<vmem>>) dst(%dma_wait3A_882 : memref<10000x128xf32, #tpu.memory_space<vmem_shared>>)
        tpu.yield
      }) : () -> ()
      %mul3A_722 = arith.constant 4 : i32
      %mul3A_723 = arith.muli %add3A_673, %mul3A_722 : i32
      %add3A_724 = arith.constant 1 : i32
      %add3A_725 = arith.addi %mul3A_723, %add3A_724 : i32
      %gt3A_726 = arith.constant 0 : i32
      %gt3A_727 = arith.cmpi sgt, %add3A_673, %gt3A_726 : i32
      %convert_element_type3A_728 = arith.extui %gt3A_727 : i1 to i32
      %cond3A_729 = arith.constant 0 : i32
      %cond3A_730 = arith.cmpi ne, %convert_element_type3A_728, %cond3A_729 : i32
      scf.if %cond3A_730 {
      } else {
      }
      %add3A_731 = arith.constant 2 : i32
      %add3A_732 = arith.addi %add3A_725, %add3A_731 : i32
      %lt3A_733 = arith.constant 125 : i32
      %lt3A_734 = arith.cmpi slt, %add3A_732, %lt3A_733 : i32
      %convert_element_type3A_735 = arith.extui %lt3A_734 : i1 to i32
      %cond3A_736 = arith.constant 0 : i32
      %cond3A_737 = arith.cmpi ne, %convert_element_type3A_735, %cond3A_736 : i32
      scf.if %cond3A_737 {
        %add3A_862 = arith.constant 2 : i32
        %add3A_863 = arith.addi %add3A_725, %add3A_862 : i32
        %mul3A_864 = arith.constant 80 : i32
        %mul3A_865 = arith.muli %add3A_863, %mul3A_864 : i32
        %add3A_866 = arith.addi %mul3A_2, %mul3A_865 : i32
        %dma_start3A_867 = arith.constant 3 : i32
        %dma_start3A_868 = arith.constant 3 : i32
        %dma_start3A_869 = arith.constant 0 : i32
        %dma_start3A_870 = tpu.memref_slice %arg6[%dma_start3A_867, %dma_start3A_869] : memref<4x80xi32, #tpu.memory_space<vmem>> -> memref<1x80xi32, #tpu.memory_space<vmem>>
        %dma_start3A_871 = tpu.memref_squeeze %dma_start3A_870 : memref<1x80xi32, #tpu.memory_space<vmem>> -> memref<80xi32, #tpu.memory_space<vmem>>
        %dma_start3A_872 = tpu.memref_slice %arg3[%add3A_866] : memref<320000xi32, #tpu.memory_space<hbm>> -> memref<80xi32, #tpu.memory_space<hbm>>
        %dma_start3A_873 = tpu.memref_slice %arg9[%dma_start3A_868] : memref<4x!tpu.dma_semaphore, #tpu.memory_space<semaphore_mem>> -> memref<1x!tpu.dma_semaphore, #tpu.memory_space<semaphore_mem>>
        %dma_start3A_874 = tpu.memref_squeeze %dma_start3A_873 : memref<1x!tpu.dma_semaphore, #tpu.memory_space<semaphore_mem>> -> memref<!tpu.dma_semaphore, #tpu.memory_space<semaphore_mem>>
        %dma_start3A_875 = arith.constant 0 : i32
        %dma_start3A_876 = tpu.memref_slice %arg6[%dma_start3A_867, %dma_start3A_875] : memref<4x80xi32, #tpu.memory_space<vmem>> -> memref<1x80xi32, #tpu.memory_space<vmem>>
        %dma_start3A_877 = tpu.memref_squeeze %dma_start3A_876 : memref<1x80xi32, #tpu.memory_space<vmem>> -> memref<80xi32, #tpu.memory_space<vmem>>
        %dma_start3A_878 = tpu.memref_slice %arg3[%add3A_866] : memref<320000xi32, #tpu.memory_space<hbm>> -> memref<80xi32, #tpu.memory_space<hbm>>
        tpu.enqueue_dma source(%dma_start3A_878 : memref<80xi32, #tpu.memory_space<hbm>>) target(%dma_start3A_877 : memref<80xi32, #tpu.memory_space<vmem>>) target_semaphore(%dma_start3A_874 : memref<!tpu.dma_semaphore, #tpu.memory_space<semaphore_mem>>)
        %dma_start3A_879 = arith.constant 3 : i32
        %dma_start3A_880 = arith.constant 3 : i32
        %dma_start3A_881 = arith.constant 0 : i32
        %dma_start3A_882 = arith.constant 0 : i32
        %dma_start3A_883 = tpu.memref_slice %arg5[%dma_start3A_879, %dma_start3A_881, %dma_start3A_882] : memref<4x80x128xf32, #tpu.memory_space<vmem>> -> memref<1x80x128xf32, #tpu.memory_space<vmem>>
        %dma_start3A_884 = tpu.memref_squeeze %dma_start3A_883 : memref<1x80x128xf32, #tpu.memory_space<vmem>> -> memref<80x128xf32, #tpu.memory_space<vmem>>
        %dma_start3A_885 = arith.constant 0 : i32
        %dma_start3A_886 = tpu.memref_slice %arg2[%add3A_866, %dma_start3A_885] : memref<320000x128xf32, #tpu.memory_space<hbm>> -> memref<80x128xf32, #tpu.memory_space<hbm>>
        %dma_start3A_887 = tpu.memref_slice %arg9[%dma_start3A_880] : memref<4x!tpu.dma_semaphore, #tpu.memory_space<semaphore_mem>> -> memref<1x!tpu.dma_semaphore, #tpu.memory_space<semaphore_mem>>
        %dma_start3A_888 = tpu.memref_squeeze %dma_start3A_887 : memref<1x!tpu.dma_semaphore, #tpu.memory_space<semaphore_mem>> -> memref<!tpu.dma_semaphore, #tpu.memory_space<semaphore_mem>>
        %dma_start3A_889 = arith.constant 0 : i32
        %dma_start3A_890 = arith.constant 0 : i32
        %dma_start3A_891 = tpu.memref_slice %arg5[%dma_start3A_879, %dma_start3A_889, %dma_start3A_890] : memref<4x80x128xf32, #tpu.memory_space<vmem>> -> memref<1x80x128xf32, #tpu.memory_space<vmem>>
        %dma_start3A_892 = tpu.memref_squeeze %dma_start3A_891 : memref<1x80x128xf32, #tpu.memory_space<vmem>> -> memref<80x128xf32, #tpu.memory_space<vmem>>
        %dma_start3A_893 = arith.constant 0 : i32
        %dma_start3A_894 = tpu.memref_slice %arg2[%add3A_866, %dma_start3A_893] : memref<320000x128xf32, #tpu.memory_space<hbm>> -> memref<80x128xf32, #tpu.memory_space<hbm>>
        tpu.enqueue_dma source(%dma_start3A_894 : memref<80x128xf32, #tpu.memory_space<hbm>>) target(%dma_start3A_892 : memref<80x128xf32, #tpu.memory_space<vmem>>) target_semaphore(%dma_start3A_888 : memref<!tpu.dma_semaphore, #tpu.memory_space<semaphore_mem>>)
      } else {
      }
      %dma_wait3A_738 = arith.constant 1 : i32
      %dma_wait3A_739 = arith.constant 1 : i32
      %dma_wait3A_740 = arith.constant 0 : i32
      %dma_wait3A_741 = tpu.memref_slice %arg6[%dma_wait3A_738, %dma_wait3A_740] : memref<4x80xi32, #tpu.memory_space<vmem>> -> memref<1x80xi32, #tpu.memory_space<vmem>>
      %dma_wait3A_742 = tpu.memref_squeeze %dma_wait3A_741 : memref<1x80xi32, #tpu.memory_space<vmem>> -> memref<80xi32, #tpu.memory_space<vmem>>
      %dma_wait3A_743 = arith.constant 0 : i32
      %dma_wait3A_744 = tpu.memref_slice %arg3[%dma_wait3A_743] : memref<320000xi32, #tpu.memory_space<hbm>> -> memref<80xi32, #tpu.memory_space<hbm>>
      %dma_wait3A_745 = tpu.memref_slice %arg9[%dma_wait3A_739] : memref<4x!tpu.dma_semaphore, #tpu.memory_space<semaphore_mem>> -> memref<1x!tpu.dma_semaphore, #tpu.memory_space<semaphore_mem>>
      %dma_wait3A_746 = tpu.memref_squeeze %dma_wait3A_745 : memref<1x!tpu.dma_semaphore, #tpu.memory_space<semaphore_mem>> -> memref<!tpu.dma_semaphore, #tpu.memory_space<semaphore_mem>>
      %dma_wait3A_747 = arith.constant 0 : i32
      %dma_wait3A_748 = tpu.memref_slice %arg6[%dma_wait3A_738, %dma_wait3A_747] : memref<4x80xi32, #tpu.memory_space<vmem>> -> memref<1x80xi32, #tpu.memory_space<vmem>>
      %dma_wait3A_749 = tpu.memref_squeeze %dma_wait3A_748 : memref<1x80xi32, #tpu.memory_space<vmem>> -> memref<80xi32, #tpu.memory_space<vmem>>
      %dma_wait3A_750 = arith.constant 0 : i32
      %dma_wait3A_751 = tpu.memref_slice %arg3[%dma_wait3A_750] : memref<320000xi32, #tpu.memory_space<hbm>> -> memref<80xi32, #tpu.memory_space<hbm>>
      tpu.wait_dma2 semaphore(%dma_wait3A_746 : memref<!tpu.dma_semaphore, #tpu.memory_space<semaphore_mem>>) src(%dma_wait3A_751 : memref<80xi32, #tpu.memory_space<hbm>>) dst(%dma_wait3A_749 : memref<80xi32, #tpu.memory_space<vmem>>)
      %dma_wait3A_752 = arith.constant 1 : i32
      %dma_wait3A_753 = arith.constant 1 : i32
      %dma_wait3A_754 = arith.constant 0 : i32
      %dma_wait3A_755 = arith.constant 0 : i32
      %dma_wait3A_756 = tpu.memref_slice %arg5[%dma_wait3A_752, %dma_wait3A_754, %dma_wait3A_755] : memref<4x80x128xf32, #tpu.memory_space<vmem>> -> memref<1x80x128xf32, #tpu.memory_space<vmem>>
      %dma_wait3A_757 = tpu.memref_squeeze %dma_wait3A_756 : memref<1x80x128xf32, #tpu.memory_space<vmem>> -> memref<80x128xf32, #tpu.memory_space<vmem>>
      %dma_wait3A_758 = arith.constant 0 : i32
      %dma_wait3A_759 = arith.constant 0 : i32
      %dma_wait3A_760 = tpu.memref_slice %arg2[%dma_wait3A_758, %dma_wait3A_759] : memref<320000x128xf32, #tpu.memory_space<hbm>> -> memref<80x128xf32, #tpu.memory_space<hbm>>
      %dma_wait3A_761 = tpu.memref_slice %arg9[%dma_wait3A_753] : memref<4x!tpu.dma_semaphore, #tpu.memory_space<semaphore_mem>> -> memref<1x!tpu.dma_semaphore, #tpu.memory_space<semaphore_mem>>
      %dma_wait3A_762 = tpu.memref_squeeze %dma_wait3A_761 : memref<1x!tpu.dma_semaphore, #tpu.memory_space<semaphore_mem>> -> memref<!tpu.dma_semaphore, #tpu.memory_space<semaphore_mem>>
      %dma_wait3A_763 = arith.constant 0 : i32
      %dma_wait3A_764 = arith.constant 0 : i32
      %dma_wait3A_765 = tpu.memref_slice %arg5[%dma_wait3A_752, %dma_wait3A_763, %dma_wait3A_764] : memref<4x80x128xf32, #tpu.memory_space<vmem>> -> memref<1x80x128xf32, #tpu.memory_space<vmem>>
      %dma_wait3A_766 = tpu.memref_squeeze %dma_wait3A_765 : memref<1x80x128xf32, #tpu.memory_space<vmem>> -> memref<80x128xf32, #tpu.memory_space<vmem>>
      %dma_wait3A_767 = arith.constant 0 : i32
      %dma_wait3A_768 = arith.constant 0 : i32
      %dma_wait3A_769 = tpu.memref_slice %arg2[%dma_wait3A_767, %dma_wait3A_768] : memref<320000x128xf32, #tpu.memory_space<hbm>> -> memref<80x128xf32, #tpu.memory_space<hbm>>
      tpu.wait_dma2 semaphore(%dma_wait3A_762 : memref<!tpu.dma_semaphore, #tpu.memory_space<semaphore_mem>>) src(%dma_wait3A_769 : memref<80x128xf32, #tpu.memory_space<hbm>>) dst(%dma_wait3A_766 : memref<80x128xf32, #tpu.memory_space<vmem>>)
      %run_scoped3A_770 = arith.constant 1 : i32
      %run_scoped3A_771 = arith.constant 1 : i32
      "tpu.region"() ({
        %run_scoped3A_862 = tpu.sem_alloc : memref<!tpu.dma_semaphore, #tpu.memory_space<semaphore_mem>>
        %dma_start3A_863 = arith.constant 0 : i32
        %dma_start3A_864 = arith.constant 0 : i32
        %dma_start3A_865 = tpu.memref_slice %arg5[%run_scoped3A_770, %dma_start3A_863, %dma_start3A_864] : memref<4x80x128xf32, #tpu.memory_space<vmem>> -> memref<1x80x128xf32, #tpu.memory_space<vmem>>
        %dma_start3A_866 = tpu.memref_squeeze %dma_start3A_865 : memref<1x80x128xf32, #tpu.memory_space<vmem>> -> memref<80x128xf32, #tpu.memory_space<vmem>>
        %dma_start3A_867 = arith.constant 0 : i32
        %dma_start3A_868 = tpu.memref_slice %arg6[%run_scoped3A_771, %dma_start3A_867] : memref<4x80xi32, #tpu.memory_space<vmem>> -> memref<1x80xi32, #tpu.memory_space<vmem>>
        %dma_start3A_869 = tpu.memref_squeeze %dma_start3A_868 : memref<1x80xi32, #tpu.memory_space<vmem>> -> memref<80xi32, #tpu.memory_space<vmem>>
        %dma_start3A_870 = arith.constant 0 : i32
        %dma_start3A_871 = arith.constant 0 : i32
        %dma_start3A_872 = tpu.memref_slice %arg8[%dma_start3A_870, %dma_start3A_871] : memref<10000x128xf32, #tpu.memory_space<vmem_shared>> -> memref<10000x128xf32, #tpu.memory_space<vmem_shared>>
        tpu.enqueue_indirect_dma source(%dma_start3A_866 : memref<80x128xf32, #tpu.memory_space<vmem>>) target(%dma_start3A_872 : memref<10000x128xf32, #tpu.memory_space<vmem_shared>>) offsets(%dma_start3A_869 : memref<80xi32, #tpu.memory_space<vmem>>) semaphore(%run_scoped3A_862 : memref<!tpu.dma_semaphore, #tpu.memory_space<semaphore_mem>>) {add = true}
        %dma_wait3A_873 = arith.constant 0 : i32
        %dma_wait3A_874 = arith.constant 0 : i32
        %dma_wait3A_875 = tpu.memref_slice %arg5[%run_scoped3A_770, %dma_wait3A_873, %dma_wait3A_874] : memref<4x80x128xf32, #tpu.memory_space<vmem>> -> memref<1x80x128xf32, #tpu.memory_space<vmem>>
        %dma_wait3A_876 = tpu.memref_squeeze %dma_wait3A_875 : memref<1x80x128xf32, #tpu.memory_space<vmem>> -> memref<80x128xf32, #tpu.memory_space<vmem>>
        %dma_wait3A_877 = arith.constant 0 : i32
        %dma_wait3A_878 = tpu.memref_slice %arg6[%run_scoped3A_771, %dma_wait3A_877] : memref<4x80xi32, #tpu.memory_space<vmem>> -> memref<1x80xi32, #tpu.memory_space<vmem>>
        %dma_wait3A_879 = tpu.memref_squeeze %dma_wait3A_878 : memref<1x80xi32, #tpu.memory_space<vmem>> -> memref<80xi32, #tpu.memory_space<vmem>>
        %dma_wait3A_880 = arith.constant 0 : i32
        %dma_wait3A_881 = arith.constant 0 : i32
        %dma_wait3A_882 = tpu.memref_slice %arg8[%dma_wait3A_880, %dma_wait3A_881] : memref<10000x128xf32, #tpu.memory_space<vmem_shared>> -> memref<10000x128xf32, #tpu.memory_space<vmem_shared>>
        tpu.wait_indirect_dma semaphore(%run_scoped3A_862 : memref<!tpu.dma_semaphore, #tpu.memory_space<semaphore_mem>>) src(%dma_wait3A_876 : memref<80x128xf32, #tpu.memory_space<vmem>>) dst(%dma_wait3A_882 : memref<10000x128xf32, #tpu.memory_space<vmem_shared>>)
        tpu.yield
      }) : () -> ()
      %mul3A_772 = arith.constant 4 : i32
      %mul3A_773 = arith.muli %add3A_673, %mul3A_772 : i32
      %add3A_774 = arith.constant 2 : i32
      %add3A_775 = arith.addi %mul3A_773, %add3A_774 : i32
      %add3A_776 = arith.constant 2 : i32
      %add3A_777 = arith.addi %add3A_775, %add3A_776 : i32
      %lt3A_778 = arith.constant 125 : i32
      %lt3A_779 = arith.cmpi slt, %add3A_777, %lt3A_778 : i32
      %convert_element_type3A_780 = arith.extui %lt3A_779 : i1 to i32
      %cond3A_781 = arith.constant 0 : i32
      %cond3A_782 = arith.cmpi ne, %convert_element_type3A_780, %cond3A_781 : i32
      scf.if %cond3A_782 {
        %add3A_862 = arith.constant 2 : i32
        %add3A_863 = arith.addi %add3A_775, %add3A_862 : i32
        %mul3A_864 = arith.constant 80 : i32
        %mul3A_865 = arith.muli %add3A_863, %mul3A_864 : i32
        %add3A_866 = arith.addi %mul3A_2, %mul3A_865 : i32
        %dma_start3A_867 = arith.constant 0 : i32
        %dma_start3A_868 = arith.constant 0 : i32
        %dma_start3A_869 = arith.constant 0 : i32
        %dma_start3A_870 = tpu.memref_slice %arg6[%dma_start3A_867, %dma_start3A_869] : memref<4x80xi32, #tpu.memory_space<vmem>> -> memref<1x80xi32, #tpu.memory_space<vmem>>
        %dma_start3A_871 = tpu.memref_squeeze %dma_start3A_870 : memref<1x80xi32, #tpu.memory_space<vmem>> -> memref<80xi32, #tpu.memory_space<vmem>>
        %dma_start3A_872 = tpu.memref_slice %arg3[%add3A_866] : memref<320000xi32, #tpu.memory_space<hbm>> -> memref<80xi32, #tpu.memory_space<hbm>>
        %dma_start3A_873 = tpu.memref_slice %arg9[%dma_start3A_868] : memref<4x!tpu.dma_semaphore, #tpu.memory_space<semaphore_mem>> -> memref<1x!tpu.dma_semaphore, #tpu.memory_space<semaphore_mem>>
        %dma_start3A_874 = tpu.memref_squeeze %dma_start3A_873 : memref<1x!tpu.dma_semaphore, #tpu.memory_space<semaphore_mem>> -> memref<!tpu.dma_semaphore, #tpu.memory_space<semaphore_mem>>
        %dma_start3A_875 = arith.constant 0 : i32
        %dma_start3A_876 = tpu.memref_slice %arg6[%dma_start3A_867, %dma_start3A_875] : memref<4x80xi32, #tpu.memory_space<vmem>> -> memref<1x80xi32, #tpu.memory_space<vmem>>
        %dma_start3A_877 = tpu.memref_squeeze %dma_start3A_876 : memref<1x80xi32, #tpu.memory_space<vmem>> -> memref<80xi32, #tpu.memory_space<vmem>>
        %dma_start3A_878 = tpu.memref_slice %arg3[%add3A_866] : memref<320000xi32, #tpu.memory_space<hbm>> -> memref<80xi32, #tpu.memory_space<hbm>>
        tpu.enqueue_dma source(%dma_start3A_878 : memref<80xi32, #tpu.memory_space<hbm>>) target(%dma_start3A_877 : memref<80xi32, #tpu.memory_space<vmem>>) target_semaphore(%dma_start3A_874 : memref<!tpu.dma_semaphore, #tpu.memory_space<semaphore_mem>>)
        %dma_start3A_879 = arith.constant 0 : i32
        %dma_start3A_880 = arith.constant 0 : i32
        %dma_start3A_881 = arith.constant 0 : i32
        %dma_start3A_882 = arith.constant 0 : i32
        %dma_start3A_883 = tpu.memref_slice %arg5[%dma_start3A_879, %dma_start3A_881, %dma_start3A_882] : memref<4x80x128xf32, #tpu.memory_space<vmem>> -> memref<1x80x128xf32, #tpu.memory_space<vmem>>
        %dma_start3A_884 = tpu.memref_squeeze %dma_start3A_883 : memref<1x80x128xf32, #tpu.memory_space<vmem>> -> memref<80x128xf32, #tpu.memory_space<vmem>>
        %dma_start3A_885 = arith.constant 0 : i32
        %dma_start3A_886 = tpu.memref_slice %arg2[%add3A_866, %dma_start3A_885] : memref<320000x128xf32, #tpu.memory_space<hbm>> -> memref<80x128xf32, #tpu.memory_space<hbm>>
        %dma_start3A_887 = tpu.memref_slice %arg9[%dma_start3A_880] : memref<4x!tpu.dma_semaphore, #tpu.memory_space<semaphore_mem>> -> memref<1x!tpu.dma_semaphore, #tpu.memory_space<semaphore_mem>>
        %dma_start3A_888 = tpu.memref_squeeze %dma_start3A_887 : memref<1x!tpu.dma_semaphore, #tpu.memory_space<semaphore_mem>> -> memref<!tpu.dma_semaphore, #tpu.memory_space<semaphore_mem>>
        %dma_start3A_889 = arith.constant 0 : i32
        %dma_start3A_890 = arith.constant 0 : i32
        %dma_start3A_891 = tpu.memref_slice %arg5[%dma_start3A_879, %dma_start3A_889, %dma_start3A_890] : memref<4x80x128xf32, #tpu.memory_space<vmem>> -> memref<1x80x128xf32, #tpu.memory_space<vmem>>
        %dma_start3A_892 = tpu.memref_squeeze %dma_start3A_891 : memref<1x80x128xf32, #tpu.memory_space<vmem>> -> memref<80x128xf32, #tpu.memory_space<vmem>>
        %dma_start3A_893 = arith.constant 0 : i32
        %dma_start3A_894 = tpu.memref_slice %arg2[%add3A_866, %dma_start3A_893] : memref<320000x128xf32, #tpu.memory_space<hbm>> -> memref<80x128xf32, #tpu.memory_space<hbm>>
        tpu.enqueue_dma source(%dma_start3A_894 : memref<80x128xf32, #tpu.memory_space<hbm>>) target(%dma_start3A_892 : memref<80x128xf32, #tpu.memory_space<vmem>>) target_semaphore(%dma_start3A_888 : memref<!tpu.dma_semaphore, #tpu.memory_space<semaphore_mem>>)
      } else {
      }
      %dma_wait3A_783 = arith.constant 2 : i32
      %dma_wait3A_784 = arith.constant 2 : i32
      %dma_wait3A_785 = arith.constant 0 : i32
      %dma_wait3A_786 = tpu.memref_slice %arg6[%dma_wait3A_783, %dma_wait3A_785] : memref<4x80xi32, #tpu.memory_space<vmem>> -> memref<1x80xi32, #tpu.memory_space<vmem>>
      %dma_wait3A_787 = tpu.memref_squeeze %dma_wait3A_786 : memref<1x80xi32, #tpu.memory_space<vmem>> -> memref<80xi32, #tpu.memory_space<vmem>>
      %dma_wait3A_788 = arith.constant 0 : i32
      %dma_wait3A_789 = tpu.memref_slice %arg3[%dma_wait3A_788] : memref<320000xi32, #tpu.memory_space<hbm>> -> memref<80xi32, #tpu.memory_space<hbm>>
      %dma_wait3A_790 = tpu.memref_slice %arg9[%dma_wait3A_784] : memref<4x!tpu.dma_semaphore, #tpu.memory_space<semaphore_mem>> -> memref<1x!tpu.dma_semaphore, #tpu.memory_space<semaphore_mem>>
      %dma_wait3A_791 = tpu.memref_squeeze %dma_wait3A_790 : memref<1x!tpu.dma_semaphore, #tpu.memory_space<semaphore_mem>> -> memref<!tpu.dma_semaphore, #tpu.memory_space<semaphore_mem>>
      %dma_wait3A_792 = arith.constant 0 : i32
      %dma_wait3A_793 = tpu.memref_slice %arg6[%dma_wait3A_783, %dma_wait3A_792] : memref<4x80xi32, #tpu.memory_space<vmem>> -> memref<1x80xi32, #tpu.memory_space<vmem>>
      %dma_wait3A_794 = tpu.memref_squeeze %dma_wait3A_793 : memref<1x80xi32, #tpu.memory_space<vmem>> -> memref<80xi32, #tpu.memory_space<vmem>>
      %dma_wait3A_795 = arith.constant 0 : i32
      %dma_wait3A_796 = tpu.memref_slice %arg3[%dma_wait3A_795] : memref<320000xi32, #tpu.memory_space<hbm>> -> memref<80xi32, #tpu.memory_space<hbm>>
      tpu.wait_dma2 semaphore(%dma_wait3A_791 : memref<!tpu.dma_semaphore, #tpu.memory_space<semaphore_mem>>) src(%dma_wait3A_796 : memref<80xi32, #tpu.memory_space<hbm>>) dst(%dma_wait3A_794 : memref<80xi32, #tpu.memory_space<vmem>>)
      %dma_wait3A_797 = arith.constant 2 : i32
      %dma_wait3A_798 = arith.constant 2 : i32
      %dma_wait3A_799 = arith.constant 0 : i32
      %dma_wait3A_800 = arith.constant 0 : i32
      %dma_wait3A_801 = tpu.memref_slice %arg5[%dma_wait3A_797, %dma_wait3A_799, %dma_wait3A_800] : memref<4x80x128xf32, #tpu.memory_space<vmem>> -> memref<1x80x128xf32, #tpu.memory_space<vmem>>
      %dma_wait3A_802 = tpu.memref_squeeze %dma_wait3A_801 : memref<1x80x128xf32, #tpu.memory_space<vmem>> -> memref<80x128xf32, #tpu.memory_space<vmem>>
      %dma_wait3A_803 = arith.constant 0 : i32
      %dma_wait3A_804 = arith.constant 0 : i32
      %dma_wait3A_805 = tpu.memref_slice %arg2[%dma_wait3A_803, %dma_wait3A_804] : memref<320000x128xf32, #tpu.memory_space<hbm>> -> memref<80x128xf32, #tpu.memory_space<hbm>>
      %dma_wait3A_806 = tpu.memref_slice %arg9[%dma_wait3A_798] : memref<4x!tpu.dma_semaphore, #tpu.memory_space<semaphore_mem>> -> memref<1x!tpu.dma_semaphore, #tpu.memory_space<semaphore_mem>>
      %dma_wait3A_807 = tpu.memref_squeeze %dma_wait3A_806 : memref<1x!tpu.dma_semaphore, #tpu.memory_space<semaphore_mem>> -> memref<!tpu.dma_semaphore, #tpu.memory_space<semaphore_mem>>
      %dma_wait3A_808 = arith.constant 0 : i32
      %dma_wait3A_809 = arith.constant 0 : i32
      %dma_wait3A_810 = tpu.memref_slice %arg5[%dma_wait3A_797, %dma_wait3A_808, %dma_wait3A_809] : memref<4x80x128xf32, #tpu.memory_space<vmem>> -> memref<1x80x128xf32, #tpu.memory_space<vmem>>
      %dma_wait3A_811 = tpu.memref_squeeze %dma_wait3A_810 : memref<1x80x128xf32, #tpu.memory_space<vmem>> -> memref<80x128xf32, #tpu.memory_space<vmem>>
      %dma_wait3A_812 = arith.constant 0 : i32
      %dma_wait3A_813 = arith.constant 0 : i32
      %dma_wait3A_814 = tpu.memref_slice %arg2[%dma_wait3A_812, %dma_wait3A_813] : memref<320000x128xf32, #tpu.memory_space<hbm>> -> memref<80x128xf32, #tpu.memory_space<hbm>>
      tpu.wait_dma2 semaphore(%dma_wait3A_807 : memref<!tpu.dma_semaphore, #tpu.memory_space<semaphore_mem>>) src(%dma_wait3A_814 : memref<80x128xf32, #tpu.memory_space<hbm>>) dst(%dma_wait3A_811 : memref<80x128xf32, #tpu.memory_space<vmem>>)
      %run_scoped3A_815 = arith.constant 2 : i32
      %run_scoped3A_816 = arith.constant 2 : i32
      "tpu.region"() ({
        %run_scoped3A_862 = tpu.sem_alloc : memref<!tpu.dma_semaphore, #tpu.memory_space<semaphore_mem>>
        %dma_start3A_863 = arith.constant 0 : i32
        %dma_start3A_864 = arith.constant 0 : i32
        %dma_start3A_865 = tpu.memref_slice %arg5[%run_scoped3A_815, %dma_start3A_863, %dma_start3A_864] : memref<4x80x128xf32, #tpu.memory_space<vmem>> -> memref<1x80x128xf32, #tpu.memory_space<vmem>>
        %dma_start3A_866 = tpu.memref_squeeze %dma_start3A_865 : memref<1x80x128xf32, #tpu.memory_space<vmem>> -> memref<80x128xf32, #tpu.memory_space<vmem>>
        %dma_start3A_867 = arith.constant 0 : i32
        %dma_start3A_868 = tpu.memref_slice %arg6[%run_scoped3A_816, %dma_start3A_867] : memref<4x80xi32, #tpu.memory_space<vmem>> -> memref<1x80xi32, #tpu.memory_space<vmem>>
        %dma_start3A_869 = tpu.memref_squeeze %dma_start3A_868 : memref<1x80xi32, #tpu.memory_space<vmem>> -> memref<80xi32, #tpu.memory_space<vmem>>
        %dma_start3A_870 = arith.constant 0 : i32
        %dma_start3A_871 = arith.constant 0 : i32
        %dma_start3A_872 = tpu.memref_slice %arg8[%dma_start3A_870, %dma_start3A_871] : memref<10000x128xf32, #tpu.memory_space<vmem_shared>> -> memref<10000x128xf32, #tpu.memory_space<vmem_shared>>
        tpu.enqueue_indirect_dma source(%dma_start3A_866 : memref<80x128xf32, #tpu.memory_space<vmem>>) target(%dma_start3A_872 : memref<10000x128xf32, #tpu.memory_space<vmem_shared>>) offsets(%dma_start3A_869 : memref<80xi32, #tpu.memory_space<vmem>>) semaphore(%run_scoped3A_862 : memref<!tpu.dma_semaphore, #tpu.memory_space<semaphore_mem>>) {add = true}
        %dma_wait3A_873 = arith.constant 0 : i32
        %dma_wait3A_874 = arith.constant 0 : i32
        %dma_wait3A_875 = tpu.memref_slice %arg5[%run_scoped3A_815, %dma_wait3A_873, %dma_wait3A_874] : memref<4x80x128xf32, #tpu.memory_space<vmem>> -> memref<1x80x128xf32, #tpu.memory_space<vmem>>
        %dma_wait3A_876 = tpu.memref_squeeze %dma_wait3A_875 : memref<1x80x128xf32, #tpu.memory_space<vmem>> -> memref<80x128xf32, #tpu.memory_space<vmem>>
        %dma_wait3A_877 = arith.constant 0 : i32
        %dma_wait3A_878 = tpu.memref_slice %arg6[%run_scoped3A_816, %dma_wait3A_877] : memref<4x80xi32, #tpu.memory_space<vmem>> -> memref<1x80xi32, #tpu.memory_space<vmem>>
        %dma_wait3A_879 = tpu.memref_squeeze %dma_wait3A_878 : memref<1x80xi32, #tpu.memory_space<vmem>> -> memref<80xi32, #tpu.memory_space<vmem>>
        %dma_wait3A_880 = arith.constant 0 : i32
        %dma_wait3A_881 = arith.constant 0 : i32
        %dma_wait3A_882 = tpu.memref_slice %arg8[%dma_wait3A_880, %dma_wait3A_881] : memref<10000x128xf32, #tpu.memory_space<vmem_shared>> -> memref<10000x128xf32, #tpu.memory_space<vmem_shared>>
        tpu.wait_indirect_dma semaphore(%run_scoped3A_862 : memref<!tpu.dma_semaphore, #tpu.memory_space<semaphore_mem>>) src(%dma_wait3A_876 : memref<80x128xf32, #tpu.memory_space<vmem>>) dst(%dma_wait3A_882 : memref<10000x128xf32, #tpu.memory_space<vmem_shared>>)
        tpu.yield
      }) : () -> ()
      %mul3A_817 = arith.constant 4 : i32
      %mul3A_818 = arith.muli %add3A_673, %mul3A_817 : i32
      %add3A_819 = arith.constant 3 : i32
      %add3A_820 = arith.addi %mul3A_818, %add3A_819 : i32
      %add3A_821 = arith.constant 2 : i32
      %add3A_822 = arith.addi %add3A_820, %add3A_821 : i32
      %lt3A_823 = arith.constant 125 : i32
      %lt3A_824 = arith.cmpi slt, %add3A_822, %lt3A_823 : i32
      %convert_element_type3A_825 = arith.extui %lt3A_824 : i1 to i32
      %cond3A_826 = arith.constant 0 : i32
      %cond3A_827 = arith.cmpi ne, %convert_element_type3A_825, %cond3A_826 : i32
      scf.if %cond3A_827 {
        %add3A_862 = arith.constant 2 : i32
        %add3A_863 = arith.addi %add3A_820, %add3A_862 : i32
        %mul3A_864 = arith.constant 80 : i32
        %mul3A_865 = arith.muli %add3A_863, %mul3A_864 : i32
        %add3A_866 = arith.addi %mul3A_2, %mul3A_865 : i32
        %dma_start3A_867 = arith.constant 1 : i32
        %dma_start3A_868 = arith.constant 1 : i32
        %dma_start3A_869 = arith.constant 0 : i32
        %dma_start3A_870 = tpu.memref_slice %arg6[%dma_start3A_867, %dma_start3A_869] : memref<4x80xi32, #tpu.memory_space<vmem>> -> memref<1x80xi32, #tpu.memory_space<vmem>>
        %dma_start3A_871 = tpu.memref_squeeze %dma_start3A_870 : memref<1x80xi32, #tpu.memory_space<vmem>> -> memref<80xi32, #tpu.memory_space<vmem>>
        %dma_start3A_872 = tpu.memref_slice %arg3[%add3A_866] : memref<320000xi32, #tpu.memory_space<hbm>> -> memref<80xi32, #tpu.memory_space<hbm>>
        %dma_start3A_873 = tpu.memref_slice %arg9[%dma_start3A_868] : memref<4x!tpu.dma_semaphore, #tpu.memory_space<semaphore_mem>> -> memref<1x!tpu.dma_semaphore, #tpu.memory_space<semaphore_mem>>
        %dma_start3A_874 = tpu.memref_squeeze %dma_start3A_873 : memref<1x!tpu.dma_semaphore, #tpu.memory_space<semaphore_mem>> -> memref<!tpu.dma_semaphore, #tpu.memory_space<semaphore_mem>>
        %dma_start3A_875 = arith.constant 0 : i32
        %dma_start3A_876 = tpu.memref_slice %arg6[%dma_start3A_867, %dma_start3A_875] : memref<4x80xi32, #tpu.memory_space<vmem>> -> memref<1x80xi32, #tpu.memory_space<vmem>>
        %dma_start3A_877 = tpu.memref_squeeze %dma_start3A_876 : memref<1x80xi32, #tpu.memory_space<vmem>> -> memref<80xi32, #tpu.memory_space<vmem>>
        %dma_start3A_878 = tpu.memref_slice %arg3[%add3A_866] : memref<320000xi32, #tpu.memory_space<hbm>> -> memref<80xi32, #tpu.memory_space<hbm>>
        tpu.enqueue_dma source(%dma_start3A_878 : memref<80xi32, #tpu.memory_space<hbm>>) target(%dma_start3A_877 : memref<80xi32, #tpu.memory_space<vmem>>) target_semaphore(%dma_start3A_874 : memref<!tpu.dma_semaphore, #tpu.memory_space<semaphore_mem>>)
        %dma_start3A_879 = arith.constant 1 : i32
        %dma_start3A_880 = arith.constant 1 : i32
        %dma_start3A_881 = arith.constant 0 : i32
        %dma_start3A_882 = arith.constant 0 : i32
        %dma_start3A_883 = tpu.memref_slice %arg5[%dma_start3A_879, %dma_start3A_881, %dma_start3A_882] : memref<4x80x128xf32, #tpu.memory_space<vmem>> -> memref<1x80x128xf32, #tpu.memory_space<vmem>>
        %dma_start3A_884 = tpu.memref_squeeze %dma_start3A_883 : memref<1x80x128xf32, #tpu.memory_space<vmem>> -> memref<80x128xf32, #tpu.memory_space<vmem>>
        %dma_start3A_885 = arith.constant 0 : i32
        %dma_start3A_886 = tpu.memref_slice %arg2[%add3A_866, %dma_start3A_885] : memref<320000x128xf32, #tpu.memory_space<hbm>> -> memref<80x128xf32, #tpu.memory_space<hbm>>
        %dma_start3A_887 = tpu.memref_slice %arg9[%dma_start3A_880] : memref<4x!tpu.dma_semaphore, #tpu.memory_space<semaphore_mem>> -> memref<1x!tpu.dma_semaphore, #tpu.memory_space<semaphore_mem>>
        %dma_start3A_888 = tpu.memref_squeeze %dma_start3A_887 : memref<1x!tpu.dma_semaphore, #tpu.memory_space<semaphore_mem>> -> memref<!tpu.dma_semaphore, #tpu.memory_space<semaphore_mem>>
        %dma_start3A_889 = arith.constant 0 : i32
        %dma_start3A_890 = arith.constant 0 : i32
        %dma_start3A_891 = tpu.memref_slice %arg5[%dma_start3A_879, %dma_start3A_889, %dma_start3A_890] : memref<4x80x128xf32, #tpu.memory_space<vmem>> -> memref<1x80x128xf32, #tpu.memory_space<vmem>>
        %dma_start3A_892 = tpu.memref_squeeze %dma_start3A_891 : memref<1x80x128xf32, #tpu.memory_space<vmem>> -> memref<80x128xf32, #tpu.memory_space<vmem>>
        %dma_start3A_893 = arith.constant 0 : i32
        %dma_start3A_894 = tpu.memref_slice %arg2[%add3A_866, %dma_start3A_893] : memref<320000x128xf32, #tpu.memory_space<hbm>> -> memref<80x128xf32, #tpu.memory_space<hbm>>
        tpu.enqueue_dma source(%dma_start3A_894 : memref<80x128xf32, #tpu.memory_space<hbm>>) target(%dma_start3A_892 : memref<80x128xf32, #tpu.memory_space<vmem>>) target_semaphore(%dma_start3A_888 : memref<!tpu.dma_semaphore, #tpu.memory_space<semaphore_mem>>)
      } else {
      }
      %dma_wait3A_828 = arith.constant 3 : i32
      %dma_wait3A_829 = arith.constant 3 : i32
      %dma_wait3A_830 = arith.constant 0 : i32
      %dma_wait3A_831 = tpu.memref_slice %arg6[%dma_wait3A_828, %dma_wait3A_830] : memref<4x80xi32, #tpu.memory_space<vmem>> -> memref<1x80xi32, #tpu.memory_space<vmem>>
      %dma_wait3A_832 = tpu.memref_squeeze %dma_wait3A_831 : memref<1x80xi32, #tpu.memory_space<vmem>> -> memref<80xi32, #tpu.memory_space<vmem>>
      %dma_wait3A_833 = arith.constant 0 : i32
      %dma_wait3A_834 = tpu.memref_slice %arg3[%dma_wait3A_833] : memref<320000xi32, #tpu.memory_space<hbm>> -> memref<80xi32, #tpu.memory_space<hbm>>
      %dma_wait3A_835 = tpu.memref_slice %arg9[%dma_wait3A_829] : memref<4x!tpu.dma_semaphore, #tpu.memory_space<semaphore_mem>> -> memref<1x!tpu.dma_semaphore, #tpu.memory_space<semaphore_mem>>
      %dma_wait3A_836 = tpu.memref_squeeze %dma_wait3A_835 : memref<1x!tpu.dma_semaphore, #tpu.memory_space<semaphore_mem>> -> memref<!tpu.dma_semaphore, #tpu.memory_space<semaphore_mem>>
      %dma_wait3A_837 = arith.constant 0 : i32
      %dma_wait3A_838 = tpu.memref_slice %arg6[%dma_wait3A_828, %dma_wait3A_837] : memref<4x80xi32, #tpu.memory_space<vmem>> -> memref<1x80xi32, #tpu.memory_space<vmem>>
      %dma_wait3A_839 = tpu.memref_squeeze %dma_wait3A_838 : memref<1x80xi32, #tpu.memory_space<vmem>> -> memref<80xi32, #tpu.memory_space<vmem>>
      %dma_wait3A_840 = arith.constant 0 : i32
      %dma_wait3A_841 = tpu.memref_slice %arg3[%dma_wait3A_840] : memref<320000xi32, #tpu.memory_space<hbm>> -> memref<80xi32, #tpu.memory_space<hbm>>
      tpu.wait_dma2 semaphore(%dma_wait3A_836 : memref<!tpu.dma_semaphore, #tpu.memory_space<semaphore_mem>>) src(%dma_wait3A_841 : memref<80xi32, #tpu.memory_space<hbm>>) dst(%dma_wait3A_839 : memref<80xi32, #tpu.memory_space<vmem>>)
      %dma_wait3A_842 = arith.constant 3 : i32
      %dma_wait3A_843 = arith.constant 3 : i32
      %dma_wait3A_844 = arith.constant 0 : i32
      %dma_wait3A_845 = arith.constant 0 : i32
      %dma_wait3A_846 = tpu.memref_slice %arg5[%dma_wait3A_842, %dma_wait3A_844, %dma_wait3A_845] : memref<4x80x128xf32, #tpu.memory_space<vmem>> -> memref<1x80x128xf32, #tpu.memory_space<vmem>>
      %dma_wait3A_847 = tpu.memref_squeeze %dma_wait3A_846 : memref<1x80x128xf32, #tpu.memory_space<vmem>> -> memref<80x128xf32, #tpu.memory_space<vmem>>
      %dma_wait3A_848 = arith.constant 0 : i32
      %dma_wait3A_849 = arith.constant 0 : i32
      %dma_wait3A_850 = tpu.memref_slice %arg2[%dma_wait3A_848, %dma_wait3A_849] : memref<320000x128xf32, #tpu.memory_space<hbm>> -> memref<80x128xf32, #tpu.memory_space<hbm>>
      %dma_wait3A_851 = tpu.memref_slice %arg9[%dma_wait3A_843] : memref<4x!tpu.dma_semaphore, #tpu.memory_space<semaphore_mem>> -> memref<1x!tpu.dma_semaphore, #tpu.memory_space<semaphore_mem>>
      %dma_wait3A_852 = tpu.memref_squeeze %dma_wait3A_851 : memref<1x!tpu.dma_semaphore, #tpu.memory_space<semaphore_mem>> -> memref<!tpu.dma_semaphore, #tpu.memory_space<semaphore_mem>>
      %dma_wait3A_853 = arith.constant 0 : i32
      %dma_wait3A_854 = arith.constant 0 : i32
      %dma_wait3A_855 = tpu.memref_slice %arg5[%dma_wait3A_842, %dma_wait3A_853, %dma_wait3A_854] : memref<4x80x128xf32, #tpu.memory_space<vmem>> -> memref<1x80x128xf32, #tpu.memory_space<vmem>>
      %dma_wait3A_856 = tpu.memref_squeeze %dma_wait3A_855 : memref<1x80x128xf32, #tpu.memory_space<vmem>> -> memref<80x128xf32, #tpu.memory_space<vmem>>
      %dma_wait3A_857 = arith.constant 0 : i32
      %dma_wait3A_858 = arith.constant 0 : i32
      %dma_wait3A_859 = tpu.memref_slice %arg2[%dma_wait3A_857, %dma_wait3A_858] : memref<320000x128xf32, #tpu.memory_space<hbm>> -> memref<80x128xf32, #tpu.memory_space<hbm>>
      tpu.wait_dma2 semaphore(%dma_wait3A_852 : memref<!tpu.dma_semaphore, #tpu.memory_space<semaphore_mem>>) src(%dma_wait3A_859 : memref<80x128xf32, #tpu.memory_space<hbm>>) dst(%dma_wait3A_856 : memref<80x128xf32, #tpu.memory_space<vmem>>)
      %run_scoped3A_860 = arith.constant 3 : i32
      %run_scoped3A_861 = arith.constant 3 : i32
      "tpu.region"() ({
        %run_scoped3A_862 = tpu.sem_alloc : memref<!tpu.dma_semaphore, #tpu.memory_space<semaphore_mem>>
        %dma_start3A_863 = arith.constant 0 : i32
        %dma_start3A_864 = arith.constant 0 : i32
        %dma_start3A_865 = tpu.memref_slice %arg5[%run_scoped3A_860, %dma_start3A_863, %dma_start3A_864] : memref<4x80x128xf32, #tpu.memory_space<vmem>> -> memref<1x80x128xf32, #tpu.memory_space<vmem>>
        %dma_start3A_866 = tpu.memref_squeeze %dma_start3A_865 : memref<1x80x128xf32, #tpu.memory_space<vmem>> -> memref<80x128xf32, #tpu.memory_space<vmem>>
        %dma_start3A_867 = arith.constant 0 : i32
        %dma_start3A_868 = tpu.memref_slice %arg6[%run_scoped3A_861, %dma_start3A_867] : memref<4x80xi32, #tpu.memory_space<vmem>> -> memref<1x80xi32, #tpu.memory_space<vmem>>
        %dma_start3A_869 = tpu.memref_squeeze %dma_start3A_868 : memref<1x80xi32, #tpu.memory_space<vmem>> -> memref<80xi32, #tpu.memory_space<vmem>>
        %dma_start3A_870 = arith.constant 0 : i32
        %dma_start3A_871 = arith.constant 0 : i32
        %dma_start3A_872 = tpu.memref_slice %arg8[%dma_start3A_870, %dma_start3A_871] : memref<10000x128xf32, #tpu.memory_space<vmem_shared>> -> memref<10000x128xf32, #tpu.memory_space<vmem_shared>>
        tpu.enqueue_indirect_dma source(%dma_start3A_866 : memref<80x128xf32, #tpu.memory_space<vmem>>) target(%dma_start3A_872 : memref<10000x128xf32, #tpu.memory_space<vmem_shared>>) offsets(%dma_start3A_869 : memref<80xi32, #tpu.memory_space<vmem>>) semaphore(%run_scoped3A_862 : memref<!tpu.dma_semaphore, #tpu.memory_space<semaphore_mem>>) {add = true}
        %dma_wait3A_873 = arith.constant 0 : i32
        %dma_wait3A_874 = arith.constant 0 : i32
        %dma_wait3A_875 = tpu.memref_slice %arg5[%run_scoped3A_860, %dma_wait3A_873, %dma_wait3A_874] : memref<4x80x128xf32, #tpu.memory_space<vmem>> -> memref<1x80x128xf32, #tpu.memory_space<vmem>>
        %dma_wait3A_876 = tpu.memref_squeeze %dma_wait3A_875 : memref<1x80x128xf32, #tpu.memory_space<vmem>> -> memref<80x128xf32, #tpu.memory_space<vmem>>
        %dma_wait3A_877 = arith.constant 0 : i32
        %dma_wait3A_878 = tpu.memref_slice %arg6[%run_scoped3A_861, %dma_wait3A_877] : memref<4x80xi32, #tpu.memory_space<vmem>> -> memref<1x80xi32, #tpu.memory_space<vmem>>
        %dma_wait3A_879 = tpu.memref_squeeze %dma_wait3A_878 : memref<1x80xi32, #tpu.memory_space<vmem>> -> memref<80xi32, #tpu.memory_space<vmem>>
        %dma_wait3A_880 = arith.constant 0 : i32
        %dma_wait3A_881 = arith.constant 0 : i32
        %dma_wait3A_882 = tpu.memref_slice %arg8[%dma_wait3A_880, %dma_wait3A_881] : memref<10000x128xf32, #tpu.memory_space<vmem_shared>> -> memref<10000x128xf32, #tpu.memory_space<vmem_shared>>
        tpu.wait_indirect_dma semaphore(%run_scoped3A_862 : memref<!tpu.dma_semaphore, #tpu.memory_space<semaphore_mem>>) src(%dma_wait3A_876 : memref<80x128xf32, #tpu.memory_space<vmem>>) dst(%dma_wait3A_882 : memref<10000x128xf32, #tpu.memory_space<vmem_shared>>)
        tpu.yield
      }) : () -> ()
    }
    %scan3A_622 = arith.constant 31 : i32
    %dma_wait3A_623 = arith.constant 0 : i32
    %dma_wait3A_624 = arith.constant 0 : i32
    %dma_wait3A_625 = arith.constant 0 : i32
    %dma_wait3A_626 = tpu.memref_slice %arg6[%dma_wait3A_623, %dma_wait3A_625] : memref<4x80xi32, #tpu.memory_space<vmem>> -> memref<1x80xi32, #tpu.memory_space<vmem>>
    %dma_wait3A_627 = tpu.memref_squeeze %dma_wait3A_626 : memref<1x80xi32, #tpu.memory_space<vmem>> -> memref<80xi32, #tpu.memory_space<vmem>>
    %dma_wait3A_628 = arith.constant 0 : i32
    %dma_wait3A_629 = tpu.memref_slice %arg3[%dma_wait3A_628] : memref<320000xi32, #tpu.memory_space<hbm>> -> memref<80xi32, #tpu.memory_space<hbm>>
    %dma_wait3A_630 = tpu.memref_slice %arg9[%dma_wait3A_624] : memref<4x!tpu.dma_semaphore, #tpu.memory_space<semaphore_mem>> -> memref<1x!tpu.dma_semaphore, #tpu.memory_space<semaphore_mem>>
    %dma_wait3A_631 = tpu.memref_squeeze %dma_wait3A_630 : memref<1x!tpu.dma_semaphore, #tpu.memory_space<semaphore_mem>> -> memref<!tpu.dma_semaphore, #tpu.memory_space<semaphore_mem>>
    %dma_wait3A_632 = arith.constant 0 : i32
    %dma_wait3A_633 = tpu.memref_slice %arg6[%dma_wait3A_623, %dma_wait3A_632] : memref<4x80xi32, #tpu.memory_space<vmem>> -> memref<1x80xi32, #tpu.memory_space<vmem>>
    %dma_wait3A_634 = tpu.memref_squeeze %dma_wait3A_633 : memref<1x80xi32, #tpu.memory_space<vmem>> -> memref<80xi32, #tpu.memory_space<vmem>>
    %dma_wait3A_635 = arith.constant 0 : i32
    %dma_wait3A_636 = tpu.memref_slice %arg3[%dma_wait3A_635] : memref<320000xi32, #tpu.memory_space<hbm>> -> memref<80xi32, #tpu.memory_space<hbm>>
    tpu.wait_dma2 semaphore(%dma_wait3A_631 : memref<!tpu.dma_semaphore, #tpu.memory_space<semaphore_mem>>) src(%dma_wait3A_636 : memref<80xi32, #tpu.memory_space<hbm>>) dst(%dma_wait3A_634 : memref<80xi32, #tpu.memory_space<vmem>>)
    %dma_wait3A_637 = arith.constant 0 : i32
    %dma_wait3A_638 = arith.constant 0 : i32
    %dma_wait3A_639 = arith.constant 0 : i32
    %dma_wait3A_640 = arith.constant 0 : i32
    %dma_wait3A_641 = tpu.memref_slice %arg5[%dma_wait3A_637, %dma_wait3A_639, %dma_wait3A_640] : memref<4x80x128xf32, #tpu.memory_space<vmem>> -> memref<1x80x128xf32, #tpu.memory_space<vmem>>
    %dma_wait3A_642 = tpu.memref_squeeze %dma_wait3A_641 : memref<1x80x128xf32, #tpu.memory_space<vmem>> -> memref<80x128xf32, #tpu.memory_space<vmem>>
    %dma_wait3A_643 = arith.constant 0 : i32
    %dma_wait3A_644 = arith.constant 0 : i32
    %dma_wait3A_645 = tpu.memref_slice %arg2[%dma_wait3A_643, %dma_wait3A_644] : memref<320000x128xf32, #tpu.memory_space<hbm>> -> memref<80x128xf32, #tpu.memory_space<hbm>>
    %dma_wait3A_646 = tpu.memref_slice %arg9[%dma_wait3A_638] : memref<4x!tpu.dma_semaphore, #tpu.memory_space<semaphore_mem>> -> memref<1x!tpu.dma_semaphore, #tpu.memory_space<semaphore_mem>>
    %dma_wait3A_647 = tpu.memref_squeeze %dma_wait3A_646 : memref<1x!tpu.dma_semaphore, #tpu.memory_space<semaphore_mem>> -> memref<!tpu.dma_semaphore, #tpu.memory_space<semaphore_mem>>
    %dma_wait3A_648 = arith.constant 0 : i32
    %dma_wait3A_649 = arith.constant 0 : i32
    %dma_wait3A_650 = tpu.memref_slice %arg5[%dma_wait3A_637, %dma_wait3A_648, %dma_wait3A_649] : memref<4x80x128xf32, #tpu.memory_space<vmem>> -> memref<1x80x128xf32, #tpu.memory_space<vmem>>
    %dma_wait3A_651 = tpu.memref_squeeze %dma_wait3A_650 : memref<1x80x128xf32, #tpu.memory_space<vmem>> -> memref<80x128xf32, #tpu.memory_space<vmem>>
    %dma_wait3A_652 = arith.constant 0 : i32
    %dma_wait3A_653 = arith.constant 0 : i32
    %dma_wait3A_654 = tpu.memref_slice %arg2[%dma_wait3A_652, %dma_wait3A_653] : memref<320000x128xf32, #tpu.memory_space<hbm>> -> memref<80x128xf32, #tpu.memory_space<hbm>>
    tpu.wait_dma2 semaphore(%dma_wait3A_647 : memref<!tpu.dma_semaphore, #tpu.memory_space<semaphore_mem>>) src(%dma_wait3A_654 : memref<80x128xf32, #tpu.memory_space<hbm>>) dst(%dma_wait3A_651 : memref<80x128xf32, #tpu.memory_space<vmem>>)
    %run_scoped3A = arith.constant 0 : i32
    %run_scoped3A_655 = arith.constant 0 : i32
    "tpu.region"() ({
      %run_scoped3A_669 = tpu.sem_alloc : memref<!tpu.dma_semaphore, #tpu.memory_space<semaphore_mem>>
      %dma_start3A_670 = arith.constant 0 : i32
      %dma_start3A_671 = arith.constant 0 : i32
      %dma_start3A_672 = tpu.memref_slice %arg5[%run_scoped3A, %dma_start3A_670, %dma_start3A_671] : memref<4x80x128xf32, #tpu.memory_space<vmem>> -> memref<1x80x128xf32, #tpu.memory_space<vmem>>
      %dma_start3A_673 = tpu.memref_squeeze %dma_start3A_672 : memref<1x80x128xf32, #tpu.memory_space<vmem>> -> memref<80x128xf32, #tpu.memory_space<vmem>>
      %dma_start3A_674 = arith.constant 0 : i32
      %dma_start3A_675 = tpu.memref_slice %arg6[%run_scoped3A_655, %dma_start3A_674] : memref<4x80xi32, #tpu.memory_space<vmem>> -> memref<1x80xi32, #tpu.memory_space<vmem>>
      %dma_start3A_676 = tpu.memref_squeeze %dma_start3A_675 : memref<1x80xi32, #tpu.memory_space<vmem>> -> memref<80xi32, #tpu.memory_space<vmem>>
      %dma_start3A_677 = arith.constant 0 : i32
      %dma_start3A_678 = arith.constant 0 : i32
      %dma_start3A_679 = tpu.memref_slice %arg8[%dma_start3A_677, %dma_start3A_678] : memref<10000x128xf32, #tpu.memory_space<vmem_shared>> -> memref<10000x128xf32, #tpu.memory_space<vmem_shared>>
      tpu.enqueue_indirect_dma source(%dma_start3A_673 : memref<80x128xf32, #tpu.memory_space<vmem>>) target(%dma_start3A_679 : memref<10000x128xf32, #tpu.memory_space<vmem_shared>>) offsets(%dma_start3A_676 : memref<80xi32, #tpu.memory_space<vmem>>) semaphore(%run_scoped3A_669 : memref<!tpu.dma_semaphore, #tpu.memory_space<semaphore_mem>>) {add = true}
      %dma_wait3A_680 = arith.constant 0 : i32
      %dma_wait3A_681 = arith.constant 0 : i32
      %dma_wait3A_682 = tpu.memref_slice %arg5[%run_scoped3A, %dma_wait3A_680, %dma_wait3A_681] : memref<4x80x128xf32, #tpu.memory_space<vmem>> -> memref<1x80x128xf32, #tpu.memory_space<vmem>>
      %dma_wait3A_683 = tpu.memref_squeeze %dma_wait3A_682 : memref<1x80x128xf32, #tpu.memory_space<vmem>> -> memref<80x128xf32, #tpu.memory_space<vmem>>
      %dma_wait3A_684 = arith.constant 0 : i32
      %dma_wait3A_685 = tpu.memref_slice %arg6[%run_scoped3A_655, %dma_wait3A_684] : memref<4x80xi32, #tpu.memory_space<vmem>> -> memref<1x80xi32, #tpu.memory_space<vmem>>
      %dma_wait3A_686 = tpu.memref_squeeze %dma_wait3A_685 : memref<1x80xi32, #tpu.memory_space<vmem>> -> memref<80xi32, #tpu.memory_space<vmem>>
      %dma_wait3A_687 = arith.constant 0 : i32
      %dma_wait3A_688 = arith.constant 0 : i32
      %dma_wait3A_689 = tpu.memref_slice %arg8[%dma_wait3A_687, %dma_wait3A_688] : memref<10000x128xf32, #tpu.memory_space<vmem_shared>> -> memref<10000x128xf32, #tpu.memory_space<vmem_shared>>
      tpu.wait_indirect_dma semaphore(%run_scoped3A_669 : memref<!tpu.dma_semaphore, #tpu.memory_space<semaphore_mem>>) src(%dma_wait3A_683 : memref<80x128xf32, #tpu.memory_space<vmem>>) dst(%dma_wait3A_689 : memref<10000x128xf32, #tpu.memory_space<vmem_shared>>)
      tpu.yield
    }) : () -> ()
    %barrier3A_656 = arith.constant 0 : index
    tpu.barrier barrier_id(%barrier3A_656)
    %mul3A_657 = arith.constant 10000 : i32
    %mul3A_658 = arith.muli %arg0, %mul3A_657 : i32
    %mul3A_659 = arith.constant 624 : i32
    %mul3A_660 = arith.muli %arg1, %mul3A_659 : i32
    %add3A_661 = arith.addi %mul3A_658, %mul3A_660 : i32
    %mul3A_662 = arith.constant 624 : i32
    %mul3A_663 = arith.muli %arg1, %mul3A_662 : i32
    "tpu.region"() ({
      %run_scoped3A_669 = tpu.sem_alloc : memref<!tpu.dma_semaphore, #tpu.memory_space<semaphore_mem>>
      %dma_start3A_670 = arith.constant 0 : i32
      %dma_start3A_671 = tpu.memref_slice %arg4[%add3A_661, %dma_start3A_670] : memref<20000x128xf32, #tpu.memory_space<hbm>> -> memref<624x128xf32, #tpu.memory_space<hbm>>
      %dma_start3A_672 = arith.constant 0 : i32
      %dma_start3A_673 = tpu.memref_slice %arg8[%mul3A_663, %dma_start3A_672] : memref<10000x128xf32, #tpu.memory_space<vmem_shared>> -> memref<624x128xf32, #tpu.memory_space<vmem_shared>>
      tpu.enqueue_dma source(%dma_start3A_673 : memref<624x128xf32, #tpu.memory_space<vmem_shared>>) target(%dma_start3A_671 : memref<624x128xf32, #tpu.memory_space<hbm>>) target_semaphore(%run_scoped3A_669 : memref<!tpu.dma_semaphore, #tpu.memory_space<semaphore_mem>>)
      %dma_wait3A_674 = arith.constant 0 : i32
      %dma_wait3A_675 = tpu.memref_slice %arg4[%add3A_661, %dma_wait3A_674] : memref<20000x128xf32, #tpu.memory_space<hbm>> -> memref<624x128xf32, #tpu.memory_space<hbm>>
      %dma_wait3A_676 = arith.constant 0 : i32
      %dma_wait3A_677 = tpu.memref_slice %arg8[%mul3A_663, %dma_wait3A_676] : memref<10000x128xf32, #tpu.memory_space<vmem_shared>> -> memref<624x128xf32, #tpu.memory_space<vmem_shared>>
      tpu.wait_dma2 semaphore(%run_scoped3A_669 : memref<!tpu.dma_semaphore, #tpu.memory_space<semaphore_mem>>) src(%dma_wait3A_677 : memref<624x128xf32, #tpu.memory_space<vmem_shared>>) dst(%dma_wait3A_675 : memref<624x128xf32, #tpu.memory_space<hbm>>)
      tpu.yield
    }) : () -> ()
    %eq3A_664 = arith.constant 15 : i32
    %eq3A_665 = arith.cmpi eq, %arg1, %eq3A_664 : i32
    %convert_element_type3A_666 = arith.extui %eq3A_665 : i1 to i32
    %cond3A_667 = arith.constant 0 : i32
    %cond3A_668 = arith.cmpi ne, %convert_element_type3A_666, %cond3A_667 : i32
    scf.if %cond3A_668 {
      %mul3A_669 = arith.constant 10000 : i32
      %mul3A_670 = arith.muli %arg0, %mul3A_669 : i32
      %add3A_671 = arith.constant 9984 : i32
      %add3A_672 = arith.addi %mul3A_670, %add3A_671 : i32
      "tpu.region"() ({
        %run_scoped3A_673 = tpu.sem_alloc : memref<!tpu.dma_semaphore, #tpu.memory_space<semaphore_mem>>
        %dma_start3A_674 = arith.constant 0 : i32
        %dma_start3A_675 = tpu.memref_slice %arg4[%add3A_672, %dma_start3A_674] : memref<20000x128xf32, #tpu.memory_space<hbm>> -> memref<16x128xf32, #tpu.memory_space<hbm>>
        %dma_start3A_676 = arith.constant 9984 : i32
        %dma_start3A_677 = arith.constant 0 : i32
        %dma_start3A_678 = tpu.memref_slice %arg8[%dma_start3A_676, %dma_start3A_677] : memref<10000x128xf32, #tpu.memory_space<vmem_shared>> -> memref<16x128xf32, #tpu.memory_space<vmem_shared>>
        tpu.enqueue_dma source(%dma_start3A_678 : memref<16x128xf32, #tpu.memory_space<vmem_shared>>) target(%dma_start3A_675 : memref<16x128xf32, #tpu.memory_space<hbm>>) target_semaphore(%run_scoped3A_673 : memref<!tpu.dma_semaphore, #tpu.memory_space<semaphore_mem>>)
        %dma_wait3A_679 = arith.constant 0 : i32
        %dma_wait3A_680 = tpu.memref_slice %arg4[%add3A_672, %dma_wait3A_679] : memref<20000x128xf32, #tpu.memory_space<hbm>> -> memref<16x128xf32, #tpu.memory_space<hbm>>
        %dma_wait3A_681 = arith.constant 9984 : i32
        %dma_wait3A_682 = arith.constant 0 : i32
        %dma_wait3A_683 = tpu.memref_slice %arg8[%dma_wait3A_681, %dma_wait3A_682] : memref<10000x128xf32, #tpu.memory_space<vmem_shared>> -> memref<16x128xf32, #tpu.memory_space<vmem_shared>>
        tpu.wait_dma2 semaphore(%run_scoped3A_673 : memref<!tpu.dma_semaphore, #tpu.memory_space<semaphore_mem>>) src(%dma_wait3A_683 : memref<16x128xf32, #tpu.memory_space<vmem_shared>>) dst(%dma_wait3A_680 : memref<16x128xf32, #tpu.memory_space<hbm>>)
        tpu.yield
      }) : () -> ()
    } else {
    }
    return
  }
}

module attributes {stable_mosaic.version = 14 : i64} {
  func.func @body(%arg0: i32, %arg1: memref<1000x128xf32, #tpu.memory_space<vmem>>, %arg2: memref<1000x128xf32, #tpu.memory_space<vmem>>, %arg3: memref<1000x128xf32, #tpu.memory_space<vmem>>, %arg4: memref<1000x128xf32, #tpu.memory_space<vmem>>) attributes {dimension_semantics = [#tpu.dimension_semantics<arbitrary>], iteration_bounds = array<i64: 10>, scalar_prefetch = 0 : i64, scratch_operands = 0 : i64, tpu.core_type = #tpu.core_type<tc>, window_params = [{transform_indices = @transform_0, window_bounds = array<i64: 1000, 128>}, {transform_indices = @transform_1, window_bounds = array<i64: 1000, 128>}, {transform_indices = @transform_2, window_bounds = array<i64: 1000, 128>}, {transform_indices = @transform_3, window_bounds = array<i64: 1000, 128>}]} {
    %get3A = arith.constant 0 : index
    %get3A_0 = arith.constant 0 : index
    %get3A_1 = vector.load %arg1[%get3A, %get3A_0] : memref<1000x128xf32, #tpu.memory_space<vmem>>, vector<1000x128xf32>
    %get3A_2 = arith.constant 0 : index
    %get3A_3 = arith.constant 0 : index
    %get3A_4 = vector.load %arg2[%get3A_2, %get3A_3] : memref<1000x128xf32, #tpu.memory_space<vmem>>, vector<1000x128xf32>
    %add3A = arith.addf %get3A_1, %get3A_4 : vector<1000x128xf32>
    %get3A_5 = arith.constant 0 : index
    %get3A_6 = arith.constant 0 : index
    %get3A_7 = vector.load %arg3[%get3A_5, %get3A_6] : memref<1000x128xf32, #tpu.memory_space<vmem>>, vector<1000x128xf32>
    %add3A_8 = arith.addf %add3A, %get3A_7 : vector<1000x128xf32>
    %swap3A = arith.constant 0 : index
    %swap3A_9 = arith.constant 0 : index
    %swap3A_10 = vector.load %arg4[%swap3A, %swap3A_9] : memref<1000x128xf32, #tpu.memory_space<vmem>>, vector<1000x128xf32>
    tpu.vector_store %arg4[%swap3A, %swap3A_9], %add3A_8 {strides = array<i32>} : memref<1000x128xf32, #tpu.memory_space<vmem>>, vector<1000x128xf32>,
    return
  }
  func.func @transform_0(%arg0: i32) -> (i32, i32) {
    %c0_i32 = arith.constant 0 : i32
    %c0_i32_0 = arith.constant 0 : i32
    return %arg0, %c0_i32 : i32, i32
  }
  func.func @transform_1(%arg0: i32) -> (i32, i32) {
    %c0_i32 = arith.constant 0 : i32
    %c0_i32_0 = arith.constant 0 : i32
    return %arg0, %c0_i32 : i32, i32
  }
  func.func @transform_2(%arg0: i32) -> (i32, i32) {
    %add3A = arith.constant 10 : i32
    %add3A_0 = arith.addi %arg0, %add3A : i32
    %c0_i32 = arith.constant 0 : i32
    %c0_i32_1 = arith.constant 0 : i32
    return %add3A_0, %c0_i32 : i32, i32
  }
  func.func @transform_3(%arg0: i32) -> (i32, i32) {
    %c0_i32 = arith.constant 0 : i32
    %c0_i32_0 = arith.constant 0 : i32
    return %arg0, %c0_i32 : i32, i32
  }
}

</mosaic_0001>

<sc_bundles>
// kernel: kernel.4.cloned.1.call-start
scs
__scs_entry_jumppad:
0x0: {  	(pc) =	sbr.rel $0x88, $3  }
0x1: {  	(tag) =	ssettag $0x0;
	lr =	simm.s32 $0x1  }
0x2: {  	[smem:$0x3F9E] =	sst lr;
	_ =	strace $0xD0000000  }
0x3: {  	_ = 	snop  }
0x4: {  	_ = 	snop  }
0x5: {  	_ = 	snop  }
0x6: {  	_ = 	snop  }
0x7: {  	_ = 	snop  }
__scs_overlays_trampoline_lowered:
0x8: {  	[smem:$0x3FAD] =	sst s0  }
0x9: {  	[smem:$0x3FAE] =	sst s1  }
0xa: {  	[smem:$0x3FAF] =	sst s2  }
0xb: {  	[smem:$0x3FB0] =	sst s3  }
0xc: {  	[smem:$0x3FB1] =	sst s4  }
0xd: {  	[smem:$0x3FB2] =	sst s5  }
0xe: {  	[smem:$0x3FB3] =	sst s6  }
0xf: {  	[smem:$0x3FB4] =	sst s7  }
0x10: {  	[smem:$0x3FB5] =	sst s8  }
0x11: {  	[smem:$0x3FB6] =	sst s9;
	s0 =	simm.s32 @!p0 $0x0  }
0x12: {  	s1 =	sld [smem:$0x3F9C];
	s0 =	simm.s32 @p0 $0x1  }
0x13: {  	[smem:$0x3FB7] =	sst s0;
	s0 =	simm.s32 @!p1 $0x0  }
0x14: {  	s2 =	sld [smem:$0x3F9B];
	s0 =	simm.s32 @p1 $0x1  }
0x15: {  	[smem:$0x3FB8] =	sst s0;
	s0 =	simm.s32 @!p2 $0x0  }
0x16: {  	s3 =	sld [smem:$0x3FDB];
	s0 =	simm.s32 @p2 $0x1  }
0x17: {  	s4 =	simm.s32 $0x1BF5;
	[smem:$0x3FBA] =	sst s0  }
0x18: {  	s0 =	sld [smem:$0x3F9D];
	_ =	swait.ge [sflag:s4], $0x0  }
0x19: {  	s7 =	sld [smem:$0x3F9E]  }
0x1a: {  	s8 =	sadd.s32 $0xFFFFE003, lr  }
0x1b: {  	s9 =	sadd.s32 $0xFFFFFEF7, lr;
	s5 =	simm.s32 $0xFFFFFFFF;
	p2 =	slt.u32 s8, $0xFFFFF086  }
0x1c: {  	p1 =	slt.u32 s9, $0xF7A;
	s5 =	simm.s32 @!p2 $0x0  }
0x1d: {  	s5 =	simm.s32 @p1 $0x1;
	p0 =	seq.s32 s7, s2  }
0x1e: {  	s7 =	smul.u32 @!p0 $0xF7A, s2;
	p2 =	seq.s32 @!p0 s5, $0x0  }
0x1f: {  	s9 =	smul.u32 $0xF7A, s1;
	s8 =	simm.s32 @!p0 $0x1BF5;
	p2 =	por !p2, p0  }
0x20: {  	[sflag:s8] =	ssyncset.s32 @!p0 $0xFFFFF086;
	s6 =	sadd.s32 @!p0 s3, s7;
	s7 =	simm.s32 @!p0 $0x108  }
0x21: {  	s3 =	sadd.s32 s3, s9;
	s6 =	sadd.s32 @!p0 $0x88, s6;
	s7 =	simm.s32 @p2 $0x1082  }
0x22: {  	[simem:s7], [sflag:s8] =	dma.local @!p0 [hbm:s6], $0xF7A  }
0x23: {  	s9 =	sor.u32 $0xD0000000, s2;
	s6 =	simm.s32 $0x108;
	_ =	swait.ge @!p0 [sflag:s8], $0x0  }
0x24: {  	s3 =	sadd.s32 $0x88, s3;
	s6 =	simm.s32 @!p1 $0x1082;
	[sflag:s4] =	ssyncset.s32 $0xFFFFF086  }
0x25: {  	[simem:s6], [sflag:s4] =	dma.local [hbm:s3], $0xF7A  }
0x26: {  	[smem:$0x3F9E] =	sst s1;
	(tag) =	ssettag s2;
	_ =	strace s9  }
0x27: {  	s1 =	sld [smem:$0x3FAE]  }
0x28: {  	s2 =	sld [smem:$0x3FAF]  }
0x29: {  	s4 =	sld [smem:$0x3FB1]  }
0x2a: {  	p0 =	seq.s32 s5, $0x0;
	s5 =	sld [smem:$0x3FB2]  }
0x2b: {  	s6 =	sld [smem:$0x3FB3]  }
0x2c: {  	s7 =	sld [smem:$0x3FB4]  }
0x2d: {  	s3 =	simm.s32 $0x108;
	s8 =	sld [smem:$0x3FB5]  }
0x2e: {  	s3 =	simm.s32 @!p0 $0x1082;
	s9 =	sld [smem:$0x3FB6]  }
0x2f: {  	lr =	sadd.s32 s0, s3;
	s0 =	sld [smem:$0x3FAD]  }
0x30: {  	s3 =	sld [smem:$0x3FB0]  }
0x31: {  	[smem:$0x3FB9] =	sst s10  }
0x32: {  	s10 =	sld [smem:$0x3FB7];
	_ =	sdelay $0x3  }
0x33: {  	p0 =	seq.s32 s10, $0x1;
	s10 =	sld [smem:$0x3FB9];
	_ =	sdelay $0x3  }
0x34: {  	[smem:$0x3FB9] =	sst s10  }
0x35: {  	s10 =	sld [smem:$0x3FB8];
	_ =	sdelay $0x3  }
0x36: {  	p1 =	seq.s32 s10, $0x1;
	s10 =	sld [smem:$0x3FB9];
	_ =	sdelay $0x3  }
0x37: {  	[smem:$0x3FB9] =	sst s10  }
0x38: {  	s10 =	sld [smem:$0x3FBA]  }
0x39: {  	_ = 	snop;
	(pc) =	sbr.ind lr, $3  }
0x3a: {  	_ = 	snop  }
0x3b: {  	_ = 	snop  }
0x3c: {  	p2 =	seq.s32 s10, $0x1;
	s10 =	sld [smem:$0x3FB9]  }
0x3d: {  	_ =	shalt  }
0x3e: {  	_ =	shalt  }
0x3f: {  	_ =	shalt  }
0x40: {  	_ =	shalt  }
0x41: {  	_ =	shalt  }
0x42: {  	_ =	shalt  }
0x43: {  	_ =	shalt  }
0x44: {  	_ =	shalt  }
0x45: {  	_ =	shalt  }
0x46: {  	_ =	shalt  }
0x47: {  	_ =	shalt  }
0x48: {  	_ =	shalt  }
0x49: {  	_ =	shalt  }
0x4a: {  	_ =	shalt  }
0x4b: {  	_ =	shalt  }
0x4c: {  	_ =	shalt  }
0x4d: {  	_ =	shalt  }
0x4e: {  	_ =	shalt  }
0x4f: {  	_ =	shalt  }
0x50: {  	_ =	shalt  }
0x51: {  	_ =	shalt  }
0x52: {  	_ =	shalt  }
0x53: {  	_ =	shalt  }
0x54: {  	_ =	shalt  }
0x55: {  	_ =	shalt  }
0x56: {  	_ =	shalt  }
0x57: {  	_ =	shalt  }
0x58: {  	_ =	shalt  }
0x59: {  	_ =	shalt  }
0x5a: {  	_ =	shalt  }
0x5b: {  	_ =	shalt  }
0x5c: {  	_ =	shalt  }
0x5d: {  	_ =	shalt  }
0x5e: {  	_ =	shalt  }
0x5f: {  	_ =	shalt  }
0x60: {  	_ =	shalt  }
0x61: {  	_ =	shalt  }
0x62: {  	_ =	shalt  }
0x63: {  	_ =	shalt  }
0x64: {  	_ =	shalt  }
0x65: {  	_ =	shalt  }
0x66: {  	_ =	shalt  }
0x67: {  	_ =	shalt  }
0x68: {  	_ =	shalt  }
0x69: {  	_ =	shalt  }
0x6a: {  	_ =	shalt  }
0x6b: {  	_ =	shalt  }
0x6c: {  	_ =	shalt  }
0x6d: {  	_ =	shalt  }
0x6e: {  	_ =	shalt  }
0x6f: {  	_ =	shalt  }
0x70: {  	_ =	shalt  }
0x71: {  	_ =	shalt  }
0x72: {  	_ =	shalt  }
0x73: {  	_ =	shalt  }
0x74: {  	_ =	shalt  }
0x75: {  	_ =	shalt  }
0x76: {  	_ =	shalt  }
0x77: {  	_ =	shalt  }
0x78: {  	_ =	shalt  }
0x79: {  	_ =	shalt  }
0x7a: {  	_ =	shalt  }
0x7b: {  	_ =	shalt  }
0x7c: {  	_ =	shalt  }
0x7d: {  	_ =	shalt  }
0x7e: {  	_ =	shalt  }
0x7f: {  	_ =	shalt  }
0x80: {  	_ =	shalt  }
0x81: {  	_ =	shalt  }
0x82: {  	_ =	shalt  }
0x83: {  	_ =	shalt  }
0x84: {  	_ =	shalt  }
0x85: {  	_ =	shalt  }
0x86: {  	_ =	shalt  }
0x87: {  	_ =	shalt  }
.Lfunc_end0:
.L_simem_size_0:
called_computation_lowered:
.L_overlay_start_0:
0x88: {  	s2 =	sld [smem:$0x3FD9]  }
0x89: {  	s3 =	sld [smem:$0x3FFE];
	_ =	sdelay $0x1  }
0x8a: {  	s1 =	srdreg.scid  }
0x8b: {  	s0 =	sand.u32 $0x1, s1  }
0x8c: {  	s17 =	sshll.u32 s0, $0xA;
	s2 =	sadd.s32 s3, s2  }
0x8d: {  	s2 =	sadd.s32 s2, s17  }
0x8e: {  	[smem:$0x3FC5] =	sst s2  }
0x8f: {  	_ = 	snop  }
0x90: {  	s2 =	sld [smem:$0x3FC8]  }
0x91: {  	s18 =	sld [smem:$0x3FC7];
	(tm) =	ssettm $0x1  }
0x92: {  	s4 =	sld [smem:$0x3FFB];
	_ =	sdelay $0x3  }
0x93: {  	_ =	strace s4  }
0x94: {  	s4 =	sld [smem:$0x3FFC];
	_ =	sdelay $0x3  }
0x95: {  	_ =	strace s4  }
0x96: {  	s4 =	sld [smem:$0x3FFD];
	_ =	sdelay $0x3  }
0x97: {  	_ =	strace s4  }
0x98: {  	_ =	strace $0x8FFFFFFF  }
0x99: {  	s19 =	sld [smem:$0x3FDB];
	_ =	sdelay $0x1  }
0x9a: {  	s5 =	simm.s32 $_scs_section_size  }
0x9b: {  	s6 =	simm.s32 $_size__tile_overlayer_lowered;
	s7 =	simm.s32 $_tile_overlayer_lowered  }
0x9c: {  	s22 =	simm.s32 $0x1BFF;
	s21 =	sshll.u32 s7, $0x1;
	s4 =	sadd.s32 s5, s19  }
0x9d: {  	s8 =	simm.s32 $0x0;
	s20 =	sshll.u32 s6, $0x1;
	s6 =	sadd.s32 s21, s4  }
0x9e: {  	[timem:s8], [sflag:s22] =	dma.local [hbm:s6], s20  }
0x9f: {  	_ =	swait.ge [sflag:s22], s20  }
0xa0: {  	s5 =	ssub.s32 $0x0, s20;
	[sflag:s22] =	ssyncset.done $0x0  }
0xa1: {  	[sflag:s22] =	ssyncadd.s32 s5;
	_ =	sdelay $0x1  }
0xa2: {  	s23 =	simm.s32 $0x1B8B  }
0xa3: {  	_ =	swait.ge [sflag:s23], $0x1  }
0xa4: {  	[sflag:s23] =	ssyncset.done $0x0  }
0xa5: {  	s25 =	simm.s32 $0x1B8E;
	s24 =	sld [smem:$0x3FFE];
	[sflag:s23] =	ssyncadd.s32 $0xFFFFFFFF  }
0xa6: {  	s26 =	simm.s32 $execute0_lowered;
	[smem:$0x3FD2] =	sst s25  }
0xa7: {  	s6 =	sshll.u32 s26, $0x1;
	_ =	strace $0x80000046;
	[dreg:$0x1] =	wrdreg $0xFFFFFFFF  }
0xa8: {  	s28 =	simm.s32 $_size_execute0_lowered;
	s4 =	sadd.s32 s4, s6;
	[dreg:$0x0] =	wrdreg $0x0  }
0xa9: {  	s6 =	sshll.u32 s28, $0x1;
	[dreg:$0x2] =	wrdreg s4  }
0xaa: {  	[dreg:$0x3] =	wrdreg s6  }
0xab: {  	[dreg:$0x4] =	wrdreg $0xC0  }
0xac: {  	_ =	task [dreg:s8], $0x5FFFF  }
0xad: {  	[dreg:$0x1] =	wrdreg $0xFFFFFFFF  }
0xae: {  	[dreg:$0x0] =	wrdreg $0x60  }
0xaf: {  	[dreg:$0x2] =	wrdreg s2  }
0xb0: {  	[dreg:$0x3] =	wrdreg s18  }
0xb1: {  	[dreg:$0x4] =	wrdreg s24  }
0xb2: {  	[dreg:$0x5] =	wrdreg $0xAA000  }
0xb3: {  	[dreg:$0x6] =	wrdreg $0x9  }
0xb4: {  	_ =	task.clear_ibuf [dreg:s8], $0x7FFFF;
	_ =	strace $0x90000046  }
0xb5: {  	s29 =	simm.s32 $0x9;
	_ =	strace $0x80000048  }
0xb6: {  	_ =	swait.ge [sflag:s29], $0x1  }
0xb7: {  	[sflag:s29] =	ssyncadd.s32 $0xFFFFFFFF  }
0xb8: {  	_ =	strace $0x90000048  }
0xb9: {  	_ =	sfence  }
0xba: {  	s30 =	sld [smem:$0x0];
	_ =	sdelay $0x2  }
0xbb: {  	s31 =	sshll.u32 s1, $0xD;
	s1 =	sshrl.u32 s1, $0x2  }
0xbc: {  	s3 =	sand.u32 $0x4000, s31;
	s1 =	sadd.s32 s1, s30  }
0xbd: {  	s0 =	sor.u32 s3, s0;
	s1 =	sshll.u32 s1, $0x11  }
0xbe: {  	s0 =	sor.u32 s1, s0  }
0xbf: {  	s0 =	sadd.s32 $0x8F2B, s0  }
0xc0: {  	[sflag:s0] =	ssyncadd.remote.s32 $0x1  }
0xc1: {  	_ =	sfence.sel $0xFFFF  }
0xc2: {  	[dreg:$0x0] =	wrdreg $0xFFFFFFFF;
	(pc) =	sbr.abs _section_cstart, $3  }
0xc3: {  	[dreg:$0x1] =	wrdreg $0xFFFFFFFF  }
0xc4: {  	_ =	task.clear_ibuf [dreg:s8], $0x2FFFF;
	_ =	strace $0x9FFFFFFF  }
0xc5: {  	(tm) =	ssettm $0x7FFFFFFF  }
tec
execute0_lowered:
.L_overlay_start_1:
0x0: {  	(tag) =	ssettag $0x1  }
0x1: {  	s0 =	rddreg [dreg:$0x0];
	s4 =	srdreg.scid  }
0x2: {  	s1 =	rddreg [dreg:$0x1];
	s12 =	stileid.u32;
	s5 =	sand.u32 $0x1, s4  }
0x3: {  	s3 =	rddreg [dreg:$0x2];
	s31 =	smul.u32 $0x2710, s12;
	s6 =	sshll.u32 s5, $0x4  }
0x4: {  	s2 =	rddreg [dreg:$0x3];
	s23 =	smul.u32 $0x27100, s5;
	s6 =	sor.u32 s12, s6  }
0x5: {  	s4 =	simm.s32 $0x0;
	s7 =	ssub.s32 $0x2, s5;
	s8 =	smul.u32 $0x2710, s6  }
0x6: {  	[smem:$0x7FF] =	sst s4;
	s9 =	sshrl.u32 s7, $0x1;
	s6 =	smul.u32 $0x27100, s6  }
0x7: {  	s10 =	smul.u32 $0x4E000, s12;
	_ =	strace $0x80000047;
	s7 =	ssub.s32 s7, s9  }
0x8: {  	s14 =	sadd.s32 s31, s23;
	s15 =	sshrl.u32 s8, $0x3;
	s6 =	sadd.s32 s0, s6  }
0x9: {  	s16 =	sadd.s32 $0x50, s8;
	s9 =	sadd.s32 s1, s15;
	[dreg:$0x6] =	wrdreg s6  }
0xa: {  	s8 =	sshrl.u32 s16, $0x3;
	s15 =	smax.u32 s7, $0x1;
	[dreg:$0x5] =	wrdreg s9  }
0xb: {  	s6 =	sshll.u32 s16, $0x4;
	s16 =	sadd.s32 $0x140, s14;
	[dreg:$0x13] =	wrdreg s15  }
0xc: {  	s17 =	sshrl.u32 s10, $0x2;
	s8 =	sadd.s32 s1, s8;
	[dreg:$0x14] =	wrdreg s16  }
0xd: {  	s6 =	sadd.s32 s0, s6;
	s9 =	sadd.s32 s17, s2;
	[dreg:$0x7] =	wrdreg s8  }
0xe: {  	[dreg:$0x8] =	wrdreg s6;
	s19 =	sadd.s32 $0x800, s9  }
0xf: {  	s20 =	sadd.s32 $0x1000, s9;
	[dreg:$0x9] =	wrdreg s19  }
0x10: {  	s21 =	sadd.s32 $0x1800, s9;
	[dreg:$0xa] =	wrdreg s20  }
0x11: {  	s22 =	sadd.s32 $0x2000, s9;
	[dreg:$0xb] =	wrdreg s21  }
0x12: {  	s24 =	sadd.s32 $0x2800, s9;
	[dreg:$0xc] =	wrdreg s22  }
0x13: {  	s25 =	sadd.s32 $0x3000, s9;
	[dreg:$0xd] =	wrdreg s24  }
0x14: {  	s18 =	smul.u32 $0x2700, s12;
	s11 =	sadd.s32 $0x3800, s9;
	[dreg:$0xe] =	wrdreg s25  }
0x15: {  	s26 =	smul.u32 $0x138800, s5;
	s30 =	sadd.s32 $0x4000, s9;
	[dreg:$0xf] =	wrdreg s11  }
0x16: {  	s6 =	sadd.s32 s18, s23;
	s23 =	sadd.s32 $0x5000, s9;
	[dreg:$0x10] =	wrdreg s30  }
0x17: {  	s10 =	sshrl.u32 s26, $0x3;
	s26 =	sadd.s32 $0x6800, s9;
	[dreg:$0x19] =	wrdreg s23  }
0x18: {  	s31 =	sadd.s32 $0x7800, s9;
	[dreg:$0x1c] =	wrdreg s26  }
0x19: {  	s7 =	sadd.s32 $0x9800, s9;
	[dreg:$0x1e] =	wrdreg s31  }
0x1a: {  	s13 =	smul.u32 $0x27100, s12;
	s8 =	sadd.s32 $0xA000, s9;
	[smem:$0x7EA] =	sst s7  }
0x1b: {  	p0 =	sne.s32 s12, $0xF;
	s12 =	sadd.s32 $0xB800, s9;
	[smem:$0x7EB] =	sst s8  }
0x1c: {  	s15 =	sadd.s32 $0xD000, s9;
	[smem:$0x7EE] =	sst s12  }
0x1d: {  	s3 =	sadd.s32 $0x800, s3;
	s16 =	sadd.s32 $0xD800, s9;
	[smem:$0x7F1] =	sst s15  }
0x1e: {  	s6 =	sadd.s32 s3, s6;
	[smem:$0x7F2] =	sst s16  }
0x1f: {  	s5 =	smul.u32 $0x271000, s5;
	s22 =	sadd.s32 $0x4800, s9;
	[dreg:$0x11] =	wrdreg s6  }
0x20: {  	s24 =	sadd.s32 $0x5800, s9;
	[dreg:$0x18] =	wrdreg s22  }
0x21: {  	s0 =	sadd.s32 s5, s0;
	s25 =	sadd.s32 $0x6000, s9;
	[dreg:$0x1a] =	wrdreg s24  }
0x22: {  	s17 =	sadd.s32 $0x190, s14;
	s30 =	sadd.s32 $0x7000, s9;
	[dreg:$0x1b] =	wrdreg s25  }
0x23: {  	s3 =	sadd.s32 s3, s10;
	s10 =	sadd.s32 $0xA800, s9;
	[dreg:$0x1d] =	wrdreg s30  }
0x24: {  	s18 =	sadd.s32 $0xF0, s14;
	s11 =	sadd.s32 $0xB000, s9;
	[smem:$0x7EC] =	sst s10  }
0x25: {  	s21 =	sadd.s32 s13, s0;
	s13 =	sadd.s32 $0xC000, s9;
	[smem:$0x7ED] =	sst s11  }
0x26: {  	s0 =	sshrl.u32 s17, $0x3;
	s17 =	sadd.s32 $0xE000, s9;
	[smem:$0x7EF] =	sst s13  }
0x27: {  	s5 =	sshrl.u32 s18, $0x3;
	s18 =	sadd.s32 $0xE800, s9;
	[smem:$0x7F3] =	sst s17  }
0x28: {  	s28 =	simm.s32 $0x4;
	s23 =	sadd.s32 $0x10800, s9;
	[smem:$0x7F4] =	sst s18  }
0x29: {  	s29 =	simm.s32 $0x0;
	s26 =	sadd.s32 $0x12000, s9;
	[smem:$0x7F8] =	sst s23  }
0x2a: {  	s31 =	sadd.s32 $0x13000, s9;
	s7 =	simm.s32 $0xA000;
	[smem:$0x7FB] =	sst s26  }
0x2b: {  	s8 =	simm.s32 $0xA080;
	s3 =	sadd.s32 $0x27000, s3;
	[smem:$0x7FD] =	sst s31  }
0x2c: {  	s12 =	simm.s32 $0x5;
	s0 =	sadd.s32 s0, s1;
	[dreg:$0x12] =	wrdreg s3  }
0x2d: {  	s15 =	simm.s32 $0x1;
	s19 =	sadd.s32 s5, s1;
	[dreg:$0x15] =	wrdreg s0  }
0x2e: {  	s16 =	simm.s32 $0x50;
	s5 =	sadd.s32 $0x8800, s9;
	[dreg:$0x16] =	wrdreg s19  }
0x2f: {  	s6 =	sadd.s32 $0x9000, s9;
	s22 =	sadd.s32 $0x10000, s9;
	[smem:$0x7E8] =	sst s5  }
0x30: {  	s24 =	sadd.s32 $0x11000, s9;
	s25 =	sadd.s32 $0x11800, s9;
	[smem:$0x7E9] =	sst s6  }
0x31: {  	s30 =	sadd.s32 $0x12800, s9;
	s10 =	simm.s32 $0x2800;
	[smem:$0x7F7] =	sst s22  }
0x32: {  	s11 =	simm.s32 $0xA200;
	s13 =	simm.s32 $0xA100;
	[smem:$0x7F9] =	sst s24  }
0x33: {  	s17 =	simm.s32 $0x6;
	s18 =	simm.s32 $0xA180;
	[smem:$0x7FA] =	sst s25  }
0x34: {  	s3 =	sadd.s32 $0xA0, s14;
	s14 =	sadd.s32 $0xC800, s9;
	[smem:$0x7FC] =	sst s30  }
0x35: {  	s19 =	sadd.s32 $0xF000, s9;
	s3 =	sshrl.u32 s3, $0x3;
	[smem:$0x7F0] =	sst s14  }
0x36: {  	s26 =	simm.s32 $0x3;
	[smem:$0x7F5] =	sst s19;
	s20 =	sadd.s32 s3, s1  }
0x37: {  	s6 =	sadd.s32 $0x138000, s2;
	s3 =	sadd.s32 $0x8000, s9;
	[dreg:$0x17] =	wrdreg s20  }
0x38: {  	s14 =	simm.s32 $0x5000;
	[dreg:$0x1f] =	wrdreg s3;
	s20 =	sadd.s32 $0xF800, s9  }
0x39: {  	v0 =	vimm.f32 $0.0e+00;
	s19 =	simm.s32 $0x7800;
	[smem:$0x7F6] =	sst s20;
	s20 =	simm.s32 $0x2  }
.LBB2_1:
0x3a: {  	s0 =	rddreg [dreg:$0x5]  }
0x3b: {  	[tilespmem:s7], [sflag:$0x1] =	stream.linear.gather [hbm4b:s0+s4], $0x50, $0x38;
	[tilespmem:$0x1E280] =	vst v63  }
0x3c: {  	s25 =	rddreg [dreg:$0x6]  }
0x3d: {  	[tilespmem:s4], [sflag:$0x1] =	stream.linear.gather [hbm4b:s25+s4], $0x2800, $0x38;
	[tilespmem:$0x1E280] =	vst v63  }
0x3e: {  	s30 =	rddreg [dreg:$0x7]  }
0x3f: {  	[tilespmem:s8], [sflag:$0x2] =	stream.linear.gather [hbm4b:s30+s4], $0x50, $0x38;
	[tilespmem:$0x1E280] =	vst v63  }
0x40: {  	s31 =	rddreg [dreg:$0x8];
	s3 =	simm.s32 $0x200;
	s0 =	simm.s32 $0x0  }
0x41: {  	[tilespmem:s10], [sflag:$0x2] =	stream.linear.gather [hbm4b:s31+s4], $0x2800, $0x38;
	[tilespmem:$0x1E280] =	vst v63  }
.LBB2_2:
0x42: {  	p1 =	sne.s32 s3, $0x1E00;
	[tilespmem:s0+$0xA270] =	vst v0  }
0x43: {  	[tilespmem:s0+$0xA200] =	vst v0  }
0x44: {  	[tilespmem:s0+$0xA210] =	vst v0  }
.Ltmp0:
0x45: {  	[tilespmem:s0+$0xA220] =	vst v0;
	(pc) =	sbr.rel @p1 .LBB2_2-.Ltmp0, $4  }
0x46: {  	[tilespmem:s0+$0xA230] =	vst v0  }
0x47: {  	[tilespmem:s0+$0xA240] =	vst v0  }
0x48: {  	[tilespmem:s0+$0xA250] =	vst v0  }
0x49: {  	[tilespmem:s0+$0xA260] =	vst v0;
	s0 =	sshra.s32 s3, $0x2;
	s3 =	sadd.s32 $0x200, s3  }
0x4a: {  	[tilespmem:s0+$0xA270] =	vst v0  }
0x4b: {  	[tilespmem:s0+$0xA200] =	vst v0  }
0x4c: {  	[tilespmem:s0+$0xA210] =	vst v0  }
0x4d: {  	[tilespmem:s0+$0xA220] =	vst v0  }
0x4e: {  	[tilespmem:s0+$0xA230] =	vst v0  }
0x4f: {  	[tilespmem:s0+$0xA240] =	vst v0  }
0x50: {  	[tilespmem:s0+$0xA250] =	vst v0  }
0x51: {  	[tilespmem:s0+$0xA260] =	vst v0;
	s25 =	rddreg [dreg:$0x9]  }
0x52: {  	[spmem:s9] =	stream.linear.scatter [tilespmem:s11], [sflag:$0x5], $0x800, $0x38;
	[tilespmem:$0x1E280] =	vst v63  }
0x53: {  	s3 =	rddreg [dreg:$0xa]  }
0x54: {  	[spmem:s25] =	stream.linear.scatter [tilespmem:s11], [sflag:$0x5], $0x800, $0x38;
	[tilespmem:$0x1E280] =	vst v63  }
0x55: {  	s5 =	rddreg [dreg:$0xb]  }
0x56: {  	[spmem:s3] =	stream.linear.scatter [tilespmem:s11], [sflag:$0x5], $0x800, $0x38;
	[tilespmem:$0x1E280] =	vst v63  }
0x57: {  	s22 =	rddreg [dreg:$0xc]  }
0x58: {  	[spmem:s5] =	stream.linear.scatter [tilespmem:s11], [sflag:$0x5], $0x800, $0x38;
	[tilespmem:$0x1E280] =	vst v63  }
0x59: {  	s23 =	rddreg [dreg:$0xd]  }
0x5a: {  	[spmem:s22] =	stream.linear.scatter [tilespmem:s11], [sflag:$0x5], $0x800, $0x38;
	[tilespmem:$0x1E280] =	vst v63  }
0x5b: {  	s24 =	rddreg [dreg:$0xe]  }
0x5c: {  	[spmem:s23] =	stream.linear.scatter [tilespmem:s11], [sflag:$0x5], $0x800, $0x38;
	[tilespmem:$0x1E280] =	vst v63  }
0x5d: {  	s25 =	rddreg [dreg:$0xf]  }
0x5e: {  	[spmem:s24] =	stream.linear.scatter [tilespmem:s11], [sflag:$0x5], $0x800, $0x38;
	[tilespmem:$0x1E280] =	vst v63  }
0x5f: {  	s3 =	rddreg [dreg:$0x10]  }
0x60: {  	[spmem:s25] =	stream.linear.scatter [tilespmem:s11], [sflag:$0x5], $0x800, $0x38;
	[tilespmem:$0x1E280] =	vst v63  }
0x61: {  	s5 =	rddreg [dreg:$0x18]  }
0x62: {  	[spmem:s3] =	stream.linear.scatter [tilespmem:s11], [sflag:$0x5], $0x800, $0x38;
	[tilespmem:$0x1E280] =	vst v63  }
0x63: {  	s22 =	rddreg [dreg:$0x19]  }
0x64: {  	[spmem:s5] =	stream.linear.scatter [tilespmem:s11], [sflag:$0x5], $0x800, $0x38;
	[tilespmem:$0x1E280] =	vst v63  }
0x65: {  	s23 =	rddreg [dreg:$0x1a]  }
0x66: {  	[spmem:s22] =	stream.linear.scatter [tilespmem:s11], [sflag:$0x5], $0x800, $0x38;
	[tilespmem:$0x1E280] =	vst v63  }
0x67: {  	s24 =	rddreg [dreg:$0x1b]  }
0x68: {  	[spmem:s23] =	stream.linear.scatter [tilespmem:s11], [sflag:$0x5], $0x800, $0x38;
	[tilespmem:$0x1E280] =	vst v63  }
0x69: {  	s25 =	rddreg [dreg:$0x1c]  }
0x6a: {  	[spmem:s24] =	stream.linear.scatter [tilespmem:s11], [sflag:$0x5], $0x800, $0x38;
	[tilespmem:$0x1E280] =	vst v63  }
0x6b: {  	s3 =	rddreg [dreg:$0x1d]  }
0x6c: {  	[spmem:s25] =	stream.linear.scatter [tilespmem:s11], [sflag:$0x5], $0x800, $0x38;
	[tilespmem:$0x1E280] =	vst v63  }
0x6d: {  	s5 =	rddreg [dreg:$0x1e]  }
0x6e: {  	[spmem:s3] =	stream.linear.scatter [tilespmem:s11], [sflag:$0x5], $0x800, $0x38;
	[tilespmem:$0x1E280] =	vst v63  }
0x6f: {  	s22 =	rddreg [dreg:$0x1f]  }
0x70: {  	[spmem:s5] =	stream.linear.scatter [tilespmem:s11], [sflag:$0x5], $0x800, $0x38;
	[tilespmem:$0x1E280] =	vst v63  }
0x71: {  	s23 =	sld [smem:$0x7E8]  }
0x72: {  	[spmem:s22] =	stream.linear.scatter [tilespmem:s11], [sflag:$0x5], $0x800, $0x38;
	[tilespmem:$0x1E280] =	vst v63  }
0x73: {  	s24 =	sld [smem:$0x7E9]  }
0x74: {  	[spmem:s23] =	stream.linear.scatter [tilespmem:s11], [sflag:$0x5], $0x800, $0x38;
	[tilespmem:$0x1E280] =	vst v63  }
0x75: {  	s25 =	sld [smem:$0x7EA]  }
0x76: {  	[spmem:s24] =	stream.linear.scatter [tilespmem:s11], [sflag:$0x5], $0x800, $0x38;
	[tilespmem:$0x1E280] =	vst v63  }
0x77: {  	s3 =	sld [smem:$0x7EB]  }
0x78: {  	[spmem:s25] =	stream.linear.scatter [tilespmem:s11], [sflag:$0x5], $0x800, $0x38;
	[tilespmem:$0x1E280] =	vst v63  }
0x79: {  	s5 =	sld [smem:$0x7EC]  }
0x7a: {  	[spmem:s3] =	stream.linear.scatter [tilespmem:s11], [sflag:$0x5], $0x800, $0x38;
	[tilespmem:$0x1E280] =	vst v63  }
0x7b: {  	s22 =	sld [smem:$0x7ED]  }
0x7c: {  	[spmem:s5] =	stream.linear.scatter [tilespmem:s11], [sflag:$0x5], $0x800, $0x38;
	[tilespmem:$0x1E280] =	vst v63  }
0x7d: {  	s23 =	sld [smem:$0x7EE]  }
0x7e: {  	[spmem:s22] =	stream.linear.scatter [tilespmem:s11], [sflag:$0x5], $0x800, $0x38;
	[tilespmem:$0x1E280] =	vst v63  }
0x7f: {  	s24 =	sld [smem:$0x7EF]  }
0x80: {  	[spmem:s23] =	stream.linear.scatter [tilespmem:s11], [sflag:$0x5], $0x800, $0x38;
	[tilespmem:$0x1E280] =	vst v63  }
0x81: {  	s25 =	sld [smem:$0x7F0]  }
0x82: {  	[spmem:s24] =	stream.linear.scatter [tilespmem:s11], [sflag:$0x5], $0x800, $0x38;
	[tilespmem:$0x1E280] =	vst v63  }
0x83: {  	s3 =	sld [smem:$0x7F1]  }
0x84: {  	[spmem:s25] =	stream.linear.scatter [tilespmem:s11], [sflag:$0x5], $0x800, $0x38;
	[tilespmem:$0x1E280] =	vst v63  }
0x85: {  	s5 =	sld [smem:$0x7F2]  }
0x86: {  	[spmem:s3] =	stream.linear.scatter [tilespmem:s11], [sflag:$0x5], $0x800, $0x38;
	[tilespmem:$0x1E280] =	vst v63  }
0x87: {  	s22 =	sld [smem:$0x7F3]  }
0x88: {  	[spmem:s5] =	stream.linear.scatter [tilespmem:s11], [sflag:$0x5], $0x800, $0x38;
	[tilespmem:$0x1E280] =	vst v63  }
0x89: {  	s23 =	sld [smem:$0x7F4]  }
0x8a: {  	[spmem:s22] =	stream.linear.scatter [tilespmem:s11], [sflag:$0x5], $0x800, $0x38;
	[tilespmem:$0x1E280] =	vst v63  }
0x8b: {  	s24 =	sld [smem:$0x7F5]  }
0x8c: {  	[spmem:s23] =	stream.linear.scatter [tilespmem:s11], [sflag:$0x5], $0x800, $0x38;
	[tilespmem:$0x1E280] =	vst v63  }
0x8d: {  	s25 =	sld [smem:$0x7F6]  }
0x8e: {  	[spmem:s24] =	stream.linear.scatter [tilespmem:s11], [sflag:$0x5], $0x800, $0x38;
	[tilespmem:$0x1E280] =	vst v63  }
0x8f: {  	s3 =	sld [smem:$0x7F7]  }
0x90: {  	[spmem:s25] =	stream.linear.scatter [tilespmem:s11], [sflag:$0x5], $0x800, $0x38;
	[tilespmem:$0x1E280] =	vst v63  }
0x91: {  	s5 =	sld [smem:$0x7F8]  }
0x92: {  	[spmem:s3] =	stream.linear.scatter [tilespmem:s11], [sflag:$0x5], $0x800, $0x38;
	[tilespmem:$0x1E280] =	vst v63  }
0x93: {  	s22 =	sld [smem:$0x7F9]  }
0x94: {  	[spmem:s5] =	stream.linear.scatter [tilespmem:s11], [sflag:$0x5], $0x800, $0x38;
	[tilespmem:$0x1E280] =	vst v63  }
0x95: {  	s23 =	sld [smem:$0x7FA]  }
0x96: {  	[spmem:s22] =	stream.linear.scatter [tilespmem:s11], [sflag:$0x5], $0x800, $0x38;
	[tilespmem:$0x1E280] =	vst v63  }
0x97: {  	s24 =	sld [smem:$0x7FB]  }
0x98: {  	[spmem:s23] =	stream.linear.scatter [tilespmem:s11], [sflag:$0x5], $0x800, $0x38;
	[tilespmem:$0x1E280] =	vst v63  }
0x99: {  	s25 =	sld [smem:$0x7FC]  }
0x9a: {  	[spmem:s24] =	stream.linear.scatter [tilespmem:s11], [sflag:$0x5], $0x800, $0x38;
	[tilespmem:$0x1E280] =	vst v63  }
0x9b: {  	s3 =	sld [smem:$0x7FD]  }
0x9c: {  	[spmem:s25] =	stream.linear.scatter [tilespmem:s11], [sflag:$0x5], $0x800, $0x38;
	[tilespmem:$0x1E280] =	vst v63  }
0x9d: {  	_ = 	snop  }
0x9e: {  	[spmem:s3] =	stream.linear.scatter [tilespmem:s11], [sflag:$0x5], $0x800, $0x38;
	[tilespmem:$0x1E280] =	vst v63  }
0x9f: {  	s0 =	simm.s32 @!p0 $0xA200  }
0xa0: {  	[spmem:s6] =	stream.linear.scatter @!p0 [tilespmem:s0], [sflag:$0x5], $0x800, $0x38;
	[tilespmem:$0x1E280] =	vst v63  }
0xa1: {  	_ =	swait.ge [sflag:s12], $0x800  }
0xa2: {  	[sflag:s12] =	ssyncset.done $0x0  }
0xa3: {  	[sflag:s12] =	ssyncadd.s32 $0xFFFFF800  }
0xa4: {  	_ =	swait.ge [sflag:s12], $0x800  }
0xa5: {  	[sflag:s12] =	ssyncset.done $0x0  }
0xa6: {  	[sflag:s12] =	ssyncadd.s32 $0xFFFFF800  }
0xa7: {  	_ =	swait.ge [sflag:s12], $0x800  }
0xa8: {  	[sflag:s12] =	ssyncset.done $0x0  }
0xa9: {  	[sflag:s12] =	ssyncadd.s32 $0xFFFFF800  }
0xaa: {  	_ =	swait.ge [sflag:s12], $0x800  }
0xab: {  	[sflag:s12] =	ssyncset.done $0x0  }
0xac: {  	[sflag:s12] =	ssyncadd.s32 $0xFFFFF800  }
0xad: {  	_ =	swait.ge [sflag:s12], $0x800  }
0xae: {  	[sflag:s12] =	ssyncset.done $0x0  }
0xaf: {  	[sflag:s12] =	ssyncadd.s32 $0xFFFFF800  }
0xb0: {  	_ =	swait.ge [sflag:s12], $0x800  }
0xb1: {  	[sflag:s12] =	ssyncset.done $0x0  }
0xb2: {  	[sflag:s12] =	ssyncadd.s32 $0xFFFFF800  }
0xb3: {  	_ =	swait.ge [sflag:s12], $0x800  }
0xb4: {  	[sflag:s12] =	ssyncset.done $0x0  }
0xb5: {  	[sflag:s12] =	ssyncadd.s32 $0xFFFFF800  }
0xb6: {  	_ =	swait.ge [sflag:s12], $0x800  }
0xb7: {  	[sflag:s12] =	ssyncset.done $0x0  }
0xb8: {  	[sflag:s12] =	ssyncadd.s32 $0xFFFFF800  }
0xb9: {  	_ =	swait.ge [sflag:s12], $0x800  }
0xba: {  	[sflag:s12] =	ssyncset.done $0x0  }
0xbb: {  	[sflag:s12] =	ssyncadd.s32 $0xFFFFF800  }
0xbc: {  	_ =	swait.ge [sflag:s12], $0x800  }
0xbd: {  	[sflag:s12] =	ssyncset.done $0x0  }
0xbe: {  	[sflag:s12] =	ssyncadd.s32 $0xFFFFF800  }
0xbf: {  	_ =	swait.ge [sflag:s12], $0x800  }
0xc0: {  	[sflag:s12] =	ssyncset.done $0x0  }
0xc1: {  	[sflag:s12] =	ssyncadd.s32 $0xFFFFF800  }
0xc2: {  	_ =	swait.ge [sflag:s12], $0x800  }
0xc3: {  	[sflag:s12] =	ssyncset.done $0x0  }
0xc4: {  	[sflag:s12] =	ssyncadd.s32 $0xFFFFF800  }
0xc5: {  	_ =	swait.ge [sflag:s12], $0x800  }
0xc6: {  	[sflag:s12] =	ssyncset.done $0x0  }
0xc7: {  	[sflag:s12] =	ssyncadd.s32 $0xFFFFF800  }
0xc8: {  	_ =	swait.ge [sflag:s12], $0x800  }
0xc9: {  	[sflag:s12] =	ssyncset.done $0x0  }
0xca: {  	[sflag:s12] =	ssyncadd.s32 $0xFFFFF800  }
0xcb: {  	_ =	swait.ge [sflag:s12], $0x800  }
0xcc: {  	[sflag:s12] =	ssyncset.done $0x0  }
0xcd: {  	[sflag:s12] =	ssyncadd.s32 $0xFFFFF800  }
0xce: {  	_ =	swait.ge [sflag:s12], $0x800  }
0xcf: {  	[sflag:s12] =	ssyncset.done $0x0  }
0xd0: {  	[sflag:s12] =	ssyncadd.s32 $0xFFFFF800  }
0xd1: {  	_ =	swait.ge [sflag:s12], $0x800  }
0xd2: {  	[sflag:s12] =	ssyncset.done $0x0  }
0xd3: {  	[sflag:s12] =	ssyncadd.s32 $0xFFFFF800  }
0xd4: {  	_ =	swait.ge [sflag:s12], $0x800  }
0xd5: {  	[sflag:s12] =	ssyncset.done $0x0  }
0xd6: {  	[sflag:s12] =	ssyncadd.s32 $0xFFFFF800  }
0xd7: {  	_ =	swait.ge [sflag:s12], $0x800  }
0xd8: {  	[sflag:s12] =	ssyncset.done $0x0  }
0xd9: {  	[sflag:s12] =	ssyncadd.s32 $0xFFFFF800  }
0xda: {  	_ =	swait.ge [sflag:s12], $0x800  }
0xdb: {  	[sflag:s12] =	ssyncset.done $0x0  }
0xdc: {  	[sflag:s12] =	ssyncadd.s32 $0xFFFFF800  }
0xdd: {  	_ =	swait.ge [sflag:s12], $0x800  }
0xde: {  	[sflag:s12] =	ssyncset.done $0x0  }
0xdf: {  	[sflag:s12] =	ssyncadd.s32 $0xFFFFF800  }
0xe0: {  	_ =	swait.ge [sflag:s12], $0x800  }
0xe1: {  	[sflag:s12] =	ssyncset.done $0x0  }
0xe2: {  	[sflag:s12] =	ssyncadd.s32 $0xFFFFF800  }
0xe3: {  	_ =	swait.ge [sflag:s12], $0x800  }
0xe4: {  	[sflag:s12] =	ssyncset.done $0x0  }
0xe5: {  	[sflag:s12] =	ssyncadd.s32 $0xFFFFF800  }
0xe6: {  	_ =	swait.ge [sflag:s12], $0x800  }
0xe7: {  	[sflag:s12] =	ssyncset.done $0x0  }
0xe8: {  	[sflag:s12] =	ssyncadd.s32 $0xFFFFF800  }
0xe9: {  	_ =	swait.ge [sflag:s12], $0x800  }
0xea: {  	[sflag:s12] =	ssyncset.done $0x0  }
0xeb: {  	[sflag:s12] =	ssyncadd.s32 $0xFFFFF800  }
0xec: {  	_ =	swait.ge [sflag:s12], $0x800  }
0xed: {  	[sflag:s12] =	ssyncset.done $0x0  }
0xee: {  	[sflag:s12] =	ssyncadd.s32 $0xFFFFF800  }
0xef: {  	_ =	swait.ge [sflag:s12], $0x800  }
0xf0: {  	[sflag:s12] =	ssyncset.done $0x0  }
0xf1: {  	[sflag:s12] =	ssyncadd.s32 $0xFFFFF800  }
0xf2: {  	_ =	swait.ge [sflag:s12], $0x800  }
0xf3: {  	[sflag:s12] =	ssyncset.done $0x0  }
0xf4: {  	[sflag:s12] =	ssyncadd.s32 $0xFFFFF800  }
0xf5: {  	_ =	swait.ge [sflag:s12], $0x800  }
0xf6: {  	[sflag:s12] =	ssyncset.done $0x0  }
0xf7: {  	[sflag:s12] =	ssyncadd.s32 $0xFFFFF800  }
0xf8: {  	_ =	swait.ge [sflag:s12], $0x800  }
0xf9: {  	[sflag:s12] =	ssyncset.done $0x0  }
0xfa: {  	[sflag:s12] =	ssyncadd.s32 $0xFFFFF800  }
0xfb: {  	_ =	swait.ge [sflag:s12], $0x800  }
0xfc: {  	[sflag:s12] =	ssyncset.done $0x0  }
0xfd: {  	[sflag:s12] =	ssyncadd.s32 $0xFFFFF800  }
0xfe: {  	_ =	swait.ge [sflag:s12], $0x800  }
0xff: {  	[sflag:s12] =	ssyncset.done $0x0  }
0x100: {  	[sflag:s12] =	ssyncadd.s32 $0xFFFFF800  }
0x101: {  	_ =	swait.ge [sflag:s12], $0x800  }
0x102: {  	[sflag:s12] =	ssyncset.done $0x0  }
0x103: {  	[sflag:s12] =	ssyncadd.s32 $0xFFFFF800  }
0x104: {  	_ =	swait.ge [sflag:s12], $0x800  }
0x105: {  	[sflag:s12] =	ssyncset.done $0x0  }
0x106: {  	[sflag:s12] =	ssyncadd.s32 $0xFFFFF800  }
0x107: {  	_ =	swait.ge [sflag:s12], $0x800  }
0x108: {  	[sflag:s12] =	ssyncset.done $0x0  }
0x109: {  	[sflag:s12] =	ssyncadd.s32 $0xFFFFF800  }
0x10a: {  	_ =	swait.ge [sflag:s12], $0x800  }
0x10b: {  	[sflag:s12] =	ssyncset.done $0x0  }
0x10c: {  	[sflag:s12] =	ssyncadd.s32 $0xFFFFF800  }
0x10d: {  	_ =	swait.ge [sflag:s12], $0x800  }
0x10e: {  	[sflag:s12] =	ssyncset.done $0x0  }
0x10f: {  	[sflag:s12] =	ssyncadd.s32 $0xFFFFF800  }
0x110: {  	_ =	swait.ge [sflag:s12], $0x800  }
0x111: {  	[sflag:s12] =	ssyncset.done $0x0  }
0x112: {  	[sflag:s12] =	ssyncadd.s32 $0xFFFFF800  }
0x113: {  	_ =	swait.ge [sflag:s12], $0x800  }
0x114: {  	[sflag:s12] =	ssyncset.done $0x0  }
0x115: {  	s0 =	simm.s32 @!p0 $0x5;
	[sflag:s12] =	ssyncadd.s32 $0xFFFFF800  }
0x116: {  	_ =	swait.ge @!p0 [sflag:s0], $0x800  }
0x117: {  	[sflag:s0] =	ssyncset.done @!p0 $0x0  }
0x118: {  	[sflag:s0] =	ssyncadd.s32 @!p0 $0xFFFFF800  }
0x119: {  	[bflag:$0x0] =	sbarrier.arrive $0xFFFF  }
0x11a: {  	s5 =	sadd.s32 $0x0, s21;
	s25 =	rddreg [dreg:$0x17]  }
0x11b: {  	[tilespmem:s13], [sflag:$0x3] =	stream.linear.gather [hbm4b:s25+s4], $0x50, $0x38;
	[tilespmem:$0x1E280] =	vst v63  }
0x11c: {  	s3 =	sadd.s32 $0xA00, s5  }
0x11d: {  	[tilespmem:s14], [sflag:$0x3] =	stream.linear.gather [hbm4b:s3+s4], $0x2800, $0x38;
	[tilespmem:$0x1E280] =	vst v63  }
0x11e: {  	_ =	swait.ge [sflag:s15], $0x50  }
0x11f: {  	[sflag:s15] =	ssyncset.done $0x0  }
0x120: {  	[sflag:s15] =	ssyncadd.s32 $0xFFFFFFB0  }
0x121: {  	_ =	swait.ge [sflag:s15], $0x2800  }
0x122: {  	[sflag:s15] =	ssyncset.done $0x0  }
0x123: {  	[sflag:s15] =	ssyncadd.s32 $0xFFFFD800  }
0x124: {  	[spmem:s2] =	stream.indirect.scatter.add.f32 [tilespmem:s4], [sflag:$0x6], $0x80, s7, s16, $0xb8;
	[tilespmem:$0x1E280] =	vst v63  }
0x125: {  	_ =	swait.ge [sflag:s17], $0x2800  }
0x126: {  	[sflag:s17] =	ssyncset.done $0x0  }
0x127: {  	s24 =	rddreg [dreg:$0x16];
	[sflag:s17] =	ssyncadd.s32 $0xFFFFD800  }
0x128: {  	[tilespmem:s18], [sflag:$0x4] =	stream.linear.gather [hbm4b:s24+s4], $0x50, $0x38;
	[tilespmem:$0x1E280] =	vst v63  }
0x129: {  	s22 =	sadd.s32 $0xF00, s5  }
0x12a: {  	[tilespmem:s19], [sflag:$0x4] =	stream.linear.gather [hbm4b:s22+s4], $0x2800, $0x38;
	[tilespmem:$0x1E280] =	vst v63  }
0x12b: {  	_ =	swait.ge [sflag:s20], $0x50  }
0x12c: {  	[sflag:s20] =	ssyncset.done $0x0  }
0x12d: {  	[sflag:s20] =	ssyncadd.s32 $0xFFFFFFB0  }
0x12e: {  	_ =	swait.ge [sflag:s20], $0x2800  }
0x12f: {  	[sflag:s20] =	ssyncset.done $0x0  }
0x130: {  	[sflag:s20] =	ssyncadd.s32 $0xFFFFD800  }
0x131: {  	[spmem:s2] =	stream.indirect.scatter.add.f32 [tilespmem:s10], [sflag:$0x6], $0x80, s8, s16, $0xb8;
	[tilespmem:$0x1E280] =	vst v63  }
0x132: {  	_ =	swait.ge [sflag:s17], $0x2800  }
0x133: {  	s22 =	rddreg [dreg:$0x14]  }
0x134: {  	[sflag:s17] =	ssyncset.done $0x0;
	s23 =	sshrl.u32 s22, $0x3  }
0x135: {  	[sflag:s17] =	ssyncadd.s32 $0xFFFFD800;
	s3 =	sadd.s32 s1, s23  }
0x136: {  	[tilespmem:s7], [sflag:$0x1] =	stream.linear.gather [hbm4b:s3+s4], $0x50, $0x38;
	[tilespmem:$0x1E280] =	vst v63  }
0x137: {  	s0 =	sadd.s32 $0x1400, s5  }
0x138: {  	[tilespmem:s4], [sflag:$0x1] =	stream.linear.gather [hbm4b:s0+s4], $0x2800, $0x38;
	[tilespmem:$0x1E280] =	vst v63  }
0x139: {  	_ =	swait.ge [sflag:s26], $0x50  }
0x13a: {  	[sflag:s26] =	ssyncset.done $0x0  }
0x13b: {  	[sflag:s26] =	ssyncadd.s32 $0xFFFFFFB0  }
0x13c: {  	_ =	swait.ge [sflag:s26], $0x2800  }
0x13d: {  	[sflag:s26] =	ssyncset.done $0x0  }
0x13e: {  	[sflag:s26] =	ssyncadd.s32 $0xFFFFD800  }
0x13f: {  	[spmem:s2] =	stream.indirect.scatter.add.f32 [tilespmem:s14], [sflag:$0x6], $0x80, s13, s16, $0xb8;
	[tilespmem:$0x1E280] =	vst v63  }
0x140: {  	p1 =	por $0x0, $0x0;
	_ =	swait.ge [sflag:s17], $0x2800  }
0x141: {  	s5 =	sadd.s32 @!p1 $0x0, s21;
	s3 =	simm.s32 @!p1 $0xA080;
	[sflag:s17] =	ssyncset.done $0x0  }
0x142: {  	s0 =	simm.s32 @!p1 $0x0;
	s23 =	rddreg [dreg:$0x15];
	[sflag:s17] =	ssyncadd.s32 $0xFFFFD800  }
0x143: {  	[tilespmem:s3], [sflag:$0x2] =	stream.linear.gather @!p1 [hbm4b:s23+s0], $0x50, $0x38;
	[tilespmem:$0x1E280] =	vst v63  }
0x144: {  	s5 =	sadd.s32 @!p1 $0x1900, s5;
	s3 =	simm.s32 @!p1 $0x2800  }
0x145: {  	[tilespmem:s3], [sflag:$0x2] =	stream.linear.gather @!p1 [hbm4b:s5+s0], $0x2800, $0x38;
	[tilespmem:$0x1E280] =	vst v63  }
0x146: {  	_ =	swait.ge [sflag:s28], $0x50  }
0x147: {  	[sflag:s28] =	ssyncset.done $0x0  }
0x148: {  	[sflag:s28] =	ssyncadd.s32 $0xFFFFFFB0  }
0x149: {  	_ =	swait.ge [sflag:s28], $0x2800  }
0x14a: {  	s30 =	simm.s32 $0x1400;
	[sflag:s28] =	ssyncset.done $0x0  }
0x14b: {  	s31 =	sadd.s32 $0x28, s24;
	s0 =	sadd.s32 $0x28, s25;
	[sflag:s28] =	ssyncadd.s32 $0xFFFFD800  }
0x14c: {  	[spmem:s2] =	stream.indirect.scatter.add.f32 [tilespmem:s19], [sflag:$0x6], $0x80, s18, s16, $0xb8;
	[tilespmem:$0x1E280] =	vst v63  }
0x14d: {  	s3 =	sadd.s32 $0x140, s22;
	s5 =	sadd.s32 $0x28, s23;
	_ =	swait.ge [sflag:s17], $0x2800  }
.LBB2_4:
0x14e: {  	s23 =	sadd.s32 s30, s21  }
0x14f: {  	[sflag:s17] =	ssyncset.done $0x0;
	s22 =	smov.u32 s30;
	s30 =	sadd.s32 $0x1400, s30  }
0x150: {  	p1 =	sne.s32 s30, $0x26C00;
	[sflag:s17] =	ssyncadd.s32 $0xFFFFD800  }
0x151: {  	[tilespmem:s13], [sflag:$0x3] =	stream.linear.gather [hbm4b:s0+s4], $0x50, $0x38;
	[tilespmem:$0x1E280] =	vst v63  }
0x152: {  	s24 =	sadd.s32 $0xA00, s23  }
0x153: {  	[tilespmem:s14], [sflag:$0x3] =	stream.linear.gather [hbm4b:s24+s4], $0x2800, $0x38;
	[tilespmem:$0x1E280] =	vst v63  }
0x154: {  	_ =	swait.ge [sflag:s15], $0x50  }
0x155: {  	[sflag:s15] =	ssyncset.done $0x0  }
0x156: {  	[sflag:s15] =	ssyncadd.s32 $0xFFFFFFB0  }
0x157: {  	_ =	swait.ge [sflag:s15], $0x2800  }
0x158: {  	[sflag:s15] =	ssyncset.done $0x0  }
0x159: {  	[sflag:s15] =	ssyncadd.s32 $0xFFFFD800  }
0x15a: {  	[spmem:s2] =	stream.indirect.scatter.add.f32 [tilespmem:s4], [sflag:$0x6], $0x80, s7, s16, $0xb8;
	[tilespmem:$0x1E280] =	vst v63  }
0x15b: {  	_ =	swait.ge [sflag:s17], $0x2800  }
0x15c: {  	[sflag:s17] =	ssyncset.done $0x0  }
0x15d: {  	[sflag:s17] =	ssyncadd.s32 $0xFFFFD800  }
0x15e: {  	[tilespmem:s18], [sflag:$0x4] =	stream.linear.gather [hbm4b:s31+s4], $0x50, $0x38;
	[tilespmem:$0x1E280] =	vst v63  }
0x15f: {  	s24 =	sadd.s32 $0xF00, s23  }
0x160: {  	[tilespmem:s19], [sflag:$0x4] =	stream.linear.gather [hbm4b:s24+s4], $0x2800, $0x38;
	[tilespmem:$0x1E280] =	vst v63  }
0x161: {  	_ =	swait.ge [sflag:s20], $0x50  }
0x162: {  	[sflag:s20] =	ssyncset.done $0x0  }
0x163: {  	[sflag:s20] =	ssyncadd.s32 $0xFFFFFFB0  }
0x164: {  	_ =	swait.ge [sflag:s20], $0x2800  }
0x165: {  	[sflag:s20] =	ssyncset.done $0x0  }
0x166: {  	[sflag:s20] =	ssyncadd.s32 $0xFFFFD800  }
0x167: {  	[spmem:s2] =	stream.indirect.scatter.add.f32 [tilespmem:s10], [sflag:$0x6], $0x80, s8, s16, $0xb8;
	[tilespmem:$0x1E280] =	vst v63  }
0x168: {  	s24 =	sshrl.u32 s3, $0x3;
	_ =	swait.ge [sflag:s17], $0x2800  }
0x169: {  	s24 =	sadd.s32 s1, s24;
	[sflag:s17] =	ssyncset.done $0x0  }
0x16a: {  	[sflag:s17] =	ssyncadd.s32 $0xFFFFD800  }
0x16b: {  	[tilespmem:s7], [sflag:$0x1] =	stream.linear.gather [hbm4b:s24+s4], $0x50, $0x38;
	[tilespmem:$0x1E280] =	vst v63  }
0x16c: {  	s23 =	sadd.s32 $0x1400, s23  }
0x16d: {  	[tilespmem:s4], [sflag:$0x1] =	stream.linear.gather [hbm4b:s23+s4], $0x2800, $0x38;
	[tilespmem:$0x1E280] =	vst v63  }
0x16e: {  	_ =	swait.ge [sflag:s26], $0x50  }
0x16f: {  	[sflag:s26] =	ssyncset.done $0x0  }
0x170: {  	[sflag:s26] =	ssyncadd.s32 $0xFFFFFFB0  }
0x171: {  	_ =	swait.ge [sflag:s26], $0x2800  }
0x172: {  	[sflag:s26] =	ssyncset.done $0x0  }
0x173: {  	[sflag:s26] =	ssyncadd.s32 $0xFFFFD800  }
0x174: {  	[spmem:s2] =	stream.indirect.scatter.add.f32 [tilespmem:s14], [sflag:$0x6], $0x80, s13, s16, $0xb8;
	[tilespmem:$0x1E280] =	vst v63  }
0x175: {  	p2 =	seq.s32 s22, $0x25800;
	_ =	swait.ge [sflag:s17], $0x2800  }
0x176: {  	s24 =	simm.s32 @!p2 $0xA080;
	s23 =	simm.s32 @!p2 $0x0;
	[sflag:s17] =	ssyncset.done $0x0  }
0x177: {  	s22 =	sadd.s32 @!p2 s22, s21;
	s25 =	simm.s32 @!p2 $0x2800;
	[sflag:s17] =	ssyncadd.s32 $0xFFFFD800  }
0x178: {  	[tilespmem:s24], [sflag:$0x2] =	stream.linear.gather @!p2 [hbm4b:s5+s23], $0x50, $0x38;
	[tilespmem:$0x1E280] =	vst v63  }
0x179: {  	s22 =	sadd.s32 @!p2 $0x1900, s22  }
0x17a: {  	[tilespmem:s25], [sflag:$0x2] =	stream.linear.gather @!p2 [hbm4b:s22+s23], $0x2800, $0x38;
	[tilespmem:$0x1E280] =	vst v63  }
0x17b: {  	_ =	swait.ge [sflag:s28], $0x50  }
0x17c: {  	[sflag:s28] =	ssyncset.done $0x0  }
0x17d: {  	[sflag:s28] =	ssyncadd.s32 $0xFFFFFFB0  }
.Ltmp1:
0x17e: {  	_ =	swait.ge [sflag:s28], $0x2800;
	(pc) =	sbr.rel @p1 .LBB2_4-.Ltmp1, $4  }
0x17f: {  	[sflag:s28] =	ssyncset.done $0x0  }
0x180: {  	s0 =	sadd.s32 $0x28, s0;
	s31 =	sadd.s32 $0x28, s31;
	[sflag:s28] =	ssyncadd.s32 $0xFFFFD800  }
0x181: {  	[spmem:s2] =	stream.indirect.scatter.add.f32 [tilespmem:s19], [sflag:$0x6], $0x80, s18, s16, $0xb8;
	[tilespmem:$0x1E280] =	vst v63  }
0x182: {  	s3 =	sadd.s32 $0x140, s3;
	s5 =	sadd.s32 $0x28, s5;
	_ =	swait.ge [sflag:s17], $0x2800  }
0x183: {  	[sflag:s17] =	ssyncset.done $0x0  }
0x184: {  	[sflag:s17] =	ssyncadd.s32 $0xFFFFD800  }
0x185: {  	_ =	swait.ge [sflag:s15], $0x50  }
0x186: {  	[sflag:s15] =	ssyncset.done $0x0  }
0x187: {  	[sflag:s15] =	ssyncadd.s32 $0xFFFFFFB0  }
0x188: {  	_ =	swait.ge [sflag:s15], $0x2800  }
0x189: {  	[sflag:s15] =	ssyncset.done $0x0  }
0x18a: {  	[sflag:s15] =	ssyncadd.s32 $0xFFFFD800  }
0x18b: {  	[spmem:s2] =	stream.indirect.scatter.add.f32 [tilespmem:s4], [sflag:$0x6], $0x80, s7, s16, $0xb8;
	[tilespmem:$0x1E280] =	vst v63  }
0x18c: {  	_ =	swait.ge [sflag:s17], $0x2800  }
0x18d: {  	[sflag:s17] =	ssyncset.done $0x0  }
0x18e: {  	s0 =	stileid.u32;
	[sflag:s17] =	ssyncadd.s32 $0xFFFFD800  }
0x18f: {  	s0 =	sshll.u32 s0, $0x6;
	[bflag:$0x0] =	sbarrier.arrive $0xFFFF  }
0x190: {  	s3 =	sshrl.u32 s9, $0x3;
	s0 =	sor.u32 $0x1C06, s0;
	s5 =	rddreg [dreg:$0x11]  }
0x191: {  	[hbm:s5], [sflag:s0] =	dma.local [spmem:s3], $0x2700  }
0x192: {  	_ =	swait.ge [sflag:s17], $0x2700  }
0x193: {  	[sflag:s17] =	ssyncset.done $0x0  }
0x194: {  	s3 =	sshrl.u32 @!p0 s6, $0x3;
	s5 =	rddreg [dreg:$0x12];
	[sflag:s17] =	ssyncadd.s32 $0xFFFFD900  }
0x195: {  	[hbm:s5], [sflag:s0] =	dma.local @!p0 [spmem:s3], $0x100  }
0x196: {  	s0 =	simm.s32 @!p0 $0x6  }
0x197: {  	_ =	swait.ge @!p0 [sflag:s0], $0x100  }
0x198: {  	s29 =	sadd.s32 $0x1, s29;
	s31 =	rddreg [dreg:$0x13]  }
0x199: {  	p1 =	sne.s32 s29, s31  }
.Ltmp2:
0x19a: {  	_ = 	snop;
	(pc) =	sbr.rel @p1 .LBB2_1-.Ltmp2, $3  }
0x19b: {  	_ =	sdelay $0x1  }
0x19c: {  	[sflag:s0] =	ssyncset.done @!p0 $0x0  }
0x19d: {  	[sflag:s0] =	ssyncadd.s32 @!p0 $0xFFFFFF00  }
0x19e: {  	_ =	sfence.sel $0x180000  }
0x19f: {  	[bflag:$0x0] =	sbarrier.arrive $0xFFFF  }
0x1a0: {  	_ =	strace $0x90000047  }
0x1a1: {  	s0 =	stileid.u32;
	[bflag:$0x2] =	sbarrier.arrive $0xFFFF  }
0x1a2: {  	p0 =	sne.s32 s0, $0x0;
	s0 =	rddreg [dreg:$0x4]  }
0x1a3: {  	s0 =	sadd.s32 @!p0 $0x100000, s0  }
0x1a4: {  	[sflag:s0] =	ssyncadd.tile.s32 @!p0 $0x1;
	_ =	shalt  }
.Lfunc_end2:
_tile_overlayer_lowered:
.L_overlay_start_2:
0x1a5: {  	(tag) =	ssettag $0x2  }
0x1a6: {  	s0 =	rddreg [dreg:$0x0];
	s2 =	stileid.u32  }
0x1a7: {  	s1 =	rddreg [dreg:$0x1];
	p0 =	sne.s32 s2, $0x0  }
0x1a8: {  	s3 =	rddreg [dreg:$0x2];
	[bflag:$0x3] =	sbarrier.arrive $0xFFFF;
	s2 =	simm.s32 @!p0 $0x1C06  }
0x1a9: {  	[timem:s3], [sflag:s2] =	dma.local @!p0 [hbm:s0], s1  }
0x1aa: {  	s0 =	simm.s32 @!p0 $0x6  }
0x1ab: {  	_ =	swait.ge @!p0 [sflag:s0], s1  }
0x1ac: {  	s1 =	ssub.s32 @!p0 $0x0, s1;
	[sflag:s0] =	ssyncset.done @!p0 $0x0  }
0x1ad: {  	[sflag:s0] =	ssyncadd.s32 @!p0 s1  }
0x1ae: {  	[bflag:$0x3] =	sbarrier.arrive $0xFFFF  }
0x1af: {  	_ =	shalt  }

</sc_bundles>
